<compile_context>
chip_gen: v7x
topology: tpu7x:2x2x1
jax: 0.10.2.dev20260603
libtpu: 0.0.44.dev20260713+nightly
codegen_flags: <defaults>
</compile_context>

<pallas_src>
import functools

import jax
import jax.numpy as jnp
from jax import lax
from jax.experimental import pallas as pl
from jax.experimental.pallas import tpu as pltpu
from jax.experimental.pallas import tpu_sc as plsc

_B = 16384
_H = 50
_D = 32
_TOT = _B * _H
_NC = 2
_NS = 16
_NW = _NC * _NS
_PER_W = _TOT // _NW
_G = 128
_NG = _PER_W // _G
_K = 10
_NSTEP = _NG // _K
_PAIRS = _NSTEP // 2


def _body(x_hbm, w_hbm, out_hbm, idx_v, rows_v, g0, g1, w0, w1):
    gs = (g0, g1)
    ws = (w0, w1)
    wid = lax.axis_index("s") * _NC + lax.axis_index("c")
    pltpu.sync_copy(x_hbm.at[wid], idx_v)

    def fire_gathers(batch, c):
        for b in range(_K):
            pltpu.async_copy(
                w_hbm.at[idx_v.at[batch * _K + b]], rows_v.at[c, b], gs[c]
            )

    def wait_write(o):
        pltpu.make_async_copy(rows_v.at[o], out_hbm.at[wid, pl.ds(0, _K)], ws[o]).wait()

    fire_gathers(0, 0)

    def pair(p, carry):
        for i in range(2):
            s = 2 * p + i
            c = i
            o = 1 - i
            for b in range(_K):
                pltpu.make_async_copy(
                    w_hbm.at[idx_v.at[b]], rows_v.at[c, b], gs[c]
                ).wait()
            pltpu.async_copy(rows_v.at[c], out_hbm.at[wid, pl.ds(s * _K, _K)], ws[c])
            if i == 0:
                @pl.when(p >= 1)
                def _():
                    wait_write(o)
                fire_gathers(s + 1, o)
            else:
                @pl.when(p < _PAIRS - 1)
                def _():
                    wait_write(o)
                    fire_gathers(s + 1, o)
        return carry

    lax.fori_loop(0, _PAIRS, pair, 0)
    wait_write(0)
    wait_write(1)


_mesh = plsc.VectorSubcoreMesh(core_axis_name="c", subcore_axis_name="s")

_call = functools.partial(
    pl.kernel,
    mesh=_mesh,
    compiler_params=pltpu.CompilerParams(use_tc_tiling_on_sc=False),
    out_type=jax.ShapeDtypeStruct((_NW, _NG, _G, _D), jnp.float32),
    scratch_types=[
        pltpu.VMEM((_NG, _G), jnp.int32),
        pltpu.VMEM((2, _K, _G, _D), jnp.float32),
        pltpu.SemaphoreType.DMA,
        pltpu.SemaphoreType.DMA,
        pltpu.SemaphoreType.DMA,
        pltpu.SemaphoreType.DMA,
    ],
)(_body)


def kernel(x, weight):
    xi = x.reshape(_NW, _NG, _G).astype(jnp.int32)
    out = _call(xi, weight)
    return out.reshape(_B, _H, _D)

# --- scband reference (transcript-rebuilt; emitter-appended) ---
"""Pipeline reference for scband-cone-registry-12292196401190 (READ-ONLY COPY).

The authoritative reference and input builder live on the scoring server;
editing this copy changes nothing except your own understanding.
"""

import jax, jax.numpy as jnp
import numpy as np

ENTRIES = 1000000
DIM = 32
BATCH = 16384
HIST = 50

def setup_inputs(seed: int = 0) -> dict:
    key = jax.random.key(seed)
    k_idx, k_w = jax.random.split(key)
    x = jax.random.randint(k_idx, (BATCH, HIST), 0, ENTRIES, dtype=jnp.int64)
    # ConeRegistry._init_embedding_: normal_().abs_()
    weight = jnp.abs(jax.random.normal(k_w, (ENTRIES, DIM), dtype=jnp.float32))
    return {"x": x, "weight": weight}

def reference(x, weight):
    # nn.Embedding forward: row gather from the cone table
    return jnp.take(weight, x, axis=0)

if __name__ == "__main__":
    import jax
    _d = setup_inputs()
    print(jax.jit(kernel)(*tuple(_d.values())))

</pallas_src>

<mosaic_0001>
#map = affine_map<(d0, d1) -> (0, 0, 0)>
#map1 = affine_map<(d0, d1) -> (0, 0)>
#map2 = affine_map<(d0, d1) -> (0, 0, 0, 0)>
module attributes {stable_mosaic.version = 14 : i64} {
  func.func @_body(%arg0: i32, %arg1: i32, %arg2: memref<32x200x128xi32, #tpu.memory_space<hbm>>, %arg3: memref<1000000x32xf32, #tpu.memory_space<hbm>>, %arg4: memref<32x200x128x32xf32, #tpu.memory_space<hbm>>, %arg5: memref<200x128xi32, #tpu.memory_space<vmem>>, %arg6: memref<2x10x128x32xf32, #tpu.memory_space<vmem>>, %arg7: memref<!tpu.dma_semaphore, #tpu.memory_space<semaphore_mem>>, %arg8: memref<!tpu.dma_semaphore, #tpu.memory_space<semaphore_mem>>, %arg9: memref<!tpu.dma_semaphore, #tpu.memory_space<semaphore_mem>>, %arg10: memref<!tpu.dma_semaphore, #tpu.memory_space<semaphore_mem>>) attributes {dimension_semantics = [#tpu.dimension_semantics<core_parallel>, #tpu.dimension_semantics<subcore_parallel>], iteration_bounds = array<i64: 2, 16>, scalar_prefetch = 0 : i64, scratch_operands = 6 : i64, tpu.core_type = #tpu.core_type<sc_vector_subcore>, window_params = [{transform_indices = #map}, {transform_indices = #map1}, {transform_indices = #map2}]} {
    %mul3A = arith.constant 2 : i32
    %mul3A_0 = arith.muli %arg1, %mul3A : i32
    %add3A = arith.addi %mul3A_0, %arg0 : i32
    "tpu.region"() ({
      %run_scoped3A = tpu.sem_alloc : memref<!tpu.dma_semaphore, #tpu.memory_space<semaphore_mem>>
      %dma_start3A_176 = arith.constant 0 : i32
      %dma_start3A_177 = arith.constant 0 : i32
      %dma_start3A_178 = tpu.memref_slice %arg2[%add3A, %dma_start3A_176, %dma_start3A_177] : memref<32x200x128xi32, #tpu.memory_space<hbm>> -> memref<1x200x128xi32, #tpu.memory_space<hbm>>
      %dma_start3A_179 = tpu.memref_squeeze %dma_start3A_178 : memref<1x200x128xi32, #tpu.memory_space<hbm>> -> memref<200x128xi32, #tpu.memory_space<hbm>>
      %dma_start3A_180 = arith.constant 0 : i32
      %dma_start3A_181 = arith.constant 0 : i32
      %dma_start3A_182 = tpu.memref_slice %arg2[%add3A, %dma_start3A_180, %dma_start3A_181] : memref<32x200x128xi32, #tpu.memory_space<hbm>> -> memref<1x200x128xi32, #tpu.memory_space<hbm>>
      %dma_start3A_183 = tpu.memref_squeeze %dma_start3A_182 : memref<1x200x128xi32, #tpu.memory_space<hbm>> -> memref<200x128xi32, #tpu.memory_space<hbm>>
      tpu.enqueue_dma source(%dma_start3A_183 : memref<200x128xi32, #tpu.memory_space<hbm>>) target(%arg5 : memref<200x128xi32, #tpu.memory_space<vmem>>) target_semaphore(%run_scoped3A : memref<!tpu.dma_semaphore, #tpu.memory_space<semaphore_mem>>)
      %dma_wait3A_184 = arith.constant 0 : i32
      %dma_wait3A_185 = arith.constant 0 : i32
      %dma_wait3A_186 = tpu.memref_slice %arg2[%add3A, %dma_wait3A_184, %dma_wait3A_185] : memref<32x200x128xi32, #tpu.memory_space<hbm>> -> memref<1x200x128xi32, #tpu.memory_space<hbm>>
      %dma_wait3A_187 = tpu.memref_squeeze %dma_wait3A_186 : memref<1x200x128xi32, #tpu.memory_space<hbm>> -> memref<200x128xi32, #tpu.memory_space<hbm>>
      %dma_wait3A_188 = arith.constant 0 : i32
      %dma_wait3A_189 = arith.constant 0 : i32
      %dma_wait3A_190 = tpu.memref_slice %arg2[%add3A, %dma_wait3A_188, %dma_wait3A_189] : memref<32x200x128xi32, #tpu.memory_space<hbm>> -> memref<1x200x128xi32, #tpu.memory_space<hbm>>
      %dma_wait3A_191 = tpu.memref_squeeze %dma_wait3A_190 : memref<1x200x128xi32, #tpu.memory_space<hbm>> -> memref<200x128xi32, #tpu.memory_space<hbm>>
      tpu.wait_dma2 semaphore(%run_scoped3A : memref<!tpu.dma_semaphore, #tpu.memory_space<semaphore_mem>>) src(%dma_wait3A_191 : memref<200x128xi32, #tpu.memory_space<hbm>>) dst(%arg5 : memref<200x128xi32, #tpu.memory_space<vmem>>)
      tpu.yield
    }) : () -> ()
    %dma_start3A = arith.constant 0 : i32
    %dma_start3A_1 = arith.constant 0 : i32
    %dma_start3A_2 = arith.constant 0 : i32
    %dma_start3A_3 = arith.constant 0 : i32
    %dma_start3A_4 = arith.constant 0 : i32
    %dma_start3A_5 = tpu.memref_slice %arg6[%dma_start3A_1, %dma_start3A_2, %dma_start3A_3, %dma_start3A_4] : memref<2x10x128x32xf32, #tpu.memory_space<vmem>> -> memref<1x1x128x32xf32, #tpu.memory_space<vmem>>
    %dma_start3A_6 = tpu.memref_squeeze %dma_start3A_5 : memref<1x1x128x32xf32, #tpu.memory_space<vmem>> -> memref<128x32xf32, #tpu.memory_space<vmem>>
    %dma_start3A_7 = arith.constant 0 : i32
    %dma_start3A_8 = tpu.memref_slice %arg5[%dma_start3A, %dma_start3A_7] : memref<200x128xi32, #tpu.memory_space<vmem>> -> memref<1x128xi32, #tpu.memory_space<vmem>>
    %dma_start3A_9 = tpu.memref_squeeze %dma_start3A_8 : memref<1x128xi32, #tpu.memory_space<vmem>> -> memref<128xi32, #tpu.memory_space<vmem>>
    %dma_start3A_10 = arith.constant 0 : i32
    %dma_start3A_11 = arith.constant 0 : i32
    %dma_start3A_12 = tpu.memref_slice %arg3[%dma_start3A_10, %dma_start3A_11] : memref<1000000x32xf32, #tpu.memory_space<hbm>> -> memref<1000000x32xf32, #tpu.memory_space<hbm>>
    tpu.enqueue_indirect_dma source(%dma_start3A_12 : memref<1000000x32xf32, #tpu.memory_space<hbm>>) target(%dma_start3A_6 : memref<128x32xf32, #tpu.memory_space<vmem>>) offsets(%dma_start3A_9 : memref<128xi32, #tpu.memory_space<vmem>>) semaphore(%arg7 : memref<!tpu.dma_semaphore, #tpu.memory_space<semaphore_mem>>)
    %dma_start3A_13 = arith.constant 1 : i32
    %dma_start3A_14 = arith.constant 0 : i32
    %dma_start3A_15 = arith.constant 1 : i32
    %dma_start3A_16 = arith.constant 0 : i32
    %dma_start3A_17 = arith.constant 0 : i32
    %dma_start3A_18 = tpu.memref_slice %arg6[%dma_start3A_14, %dma_start3A_15, %dma_start3A_16, %dma_start3A_17] : memref<2x10x128x32xf32, #tpu.memory_space<vmem>> -> memref<1x1x128x32xf32, #tpu.memory_space<vmem>>
    %dma_start3A_19 = tpu.memref_squeeze %dma_start3A_18 : memref<1x1x128x32xf32, #tpu.memory_space<vmem>> -> memref<128x32xf32, #tpu.memory_space<vmem>>
    %dma_start3A_20 = arith.constant 0 : i32
    %dma_start3A_21 = tpu.memref_slice %arg5[%dma_start3A_13, %dma_start3A_20] : memref<200x128xi32, #tpu.memory_space<vmem>> -> memref<1x128xi32, #tpu.memory_space<vmem>>
    %dma_start3A_22 = tpu.memref_squeeze %dma_start3A_21 : memref<1x128xi32, #tpu.memory_space<vmem>> -> memref<128xi32, #tpu.memory_space<vmem>>
    %dma_start3A_23 = arith.constant 0 : i32
    %dma_start3A_24 = arith.constant 0 : i32
    %dma_start3A_25 = tpu.memref_slice %arg3[%dma_start3A_23, %dma_start3A_24] : memref<1000000x32xf32, #tpu.memory_space<hbm>> -> memref<1000000x32xf32, #tpu.memory_space<hbm>>
    tpu.enqueue_indirect_dma source(%dma_start3A_25 : memref<1000000x32xf32, #tpu.memory_space<hbm>>) target(%dma_start3A_19 : memref<128x32xf32, #tpu.memory_space<vmem>>) offsets(%dma_start3A_22 : memref<128xi32, #tpu.memory_space<vmem>>) semaphore(%arg7 : memref<!tpu.dma_semaphore, #tpu.memory_space<semaphore_mem>>)
    %dma_start3A_26 = arith.constant 2 : i32
    %dma_start3A_27 = arith.constant 0 : i32
    %dma_start3A_28 = arith.constant 2 : i32
    %dma_start3A_29 = arith.constant 0 : i32
    %dma_start3A_30 = arith.constant 0 : i32
    %dma_start3A_31 = tpu.memref_slice %arg6[%dma_start3A_27, %dma_start3A_28, %dma_start3A_29, %dma_start3A_30] : memref<2x10x128x32xf32, #tpu.memory_space<vmem>> -> memref<1x1x128x32xf32, #tpu.memory_space<vmem>>
    %dma_start3A_32 = tpu.memref_squeeze %dma_start3A_31 : memref<1x1x128x32xf32, #tpu.memory_space<vmem>> -> memref<128x32xf32, #tpu.memory_space<vmem>>
    %dma_start3A_33 = arith.constant 0 : i32
    %dma_start3A_34 = tpu.memref_slice %arg5[%dma_start3A_26, %dma_start3A_33] : memref<200x128xi32, #tpu.memory_space<vmem>> -> memref<1x128xi32, #tpu.memory_space<vmem>>
    %dma_start3A_35 = tpu.memref_squeeze %dma_start3A_34 : memref<1x128xi32, #tpu.memory_space<vmem>> -> memref<128xi32, #tpu.memory_space<vmem>>
    %dma_start3A_36 = arith.constant 0 : i32
    %dma_start3A_37 = arith.constant 0 : i32
    %dma_start3A_38 = tpu.memref_slice %arg3[%dma_start3A_36, %dma_start3A_37] : memref<1000000x32xf32, #tpu.memory_space<hbm>> -> memref<1000000x32xf32, #tpu.memory_space<hbm>>
    tpu.enqueue_indirect_dma source(%dma_start3A_38 : memref<1000000x32xf32, #tpu.memory_space<hbm>>) target(%dma_start3A_32 : memref<128x32xf32, #tpu.memory_space<vmem>>) offsets(%dma_start3A_35 : memref<128xi32, #tpu.memory_space<vmem>>) semaphore(%arg7 : memref<!tpu.dma_semaphore, #tpu.memory_space<semaphore_mem>>)
    %dma_start3A_39 = arith.constant 3 : i32
    %dma_start3A_40 = arith.constant 0 : i32
    %dma_start3A_41 = arith.constant 3 : i32
    %dma_start3A_42 = arith.constant 0 : i32
    %dma_start3A_43 = arith.constant 0 : i32
    %dma_start3A_44 = tpu.memref_slice %arg6[%dma_start3A_40, %dma_start3A_41, %dma_start3A_42, %dma_start3A_43] : memref<2x10x128x32xf32, #tpu.memory_space<vmem>> -> memref<1x1x128x32xf32, #tpu.memory_space<vmem>>
    %dma_start3A_45 = tpu.memref_squeeze %dma_start3A_44 : memref<1x1x128x32xf32, #tpu.memory_space<vmem>> -> memref<128x32xf32, #tpu.memory_space<vmem>>
    %dma_start3A_46 = arith.constant 0 : i32
    %dma_start3A_47 = tpu.memref_slice %arg5[%dma_start3A_39, %dma_start3A_46] : memref<200x128xi32, #tpu.memory_space<vmem>> -> memref<1x128xi32, #tpu.memory_space<vmem>>
    %dma_start3A_48 = tpu.memref_squeeze %dma_start3A_47 : memref<1x128xi32, #tpu.memory_space<vmem>> -> memref<128xi32, #tpu.memory_space<vmem>>
    %dma_start3A_49 = arith.constant 0 : i32
    %dma_start3A_50 = arith.constant 0 : i32
    %dma_start3A_51 = tpu.memref_slice %arg3[%dma_start3A_49, %dma_start3A_50] : memref<1000000x32xf32, #tpu.memory_space<hbm>> -> memref<1000000x32xf32, #tpu.memory_space<hbm>>
    tpu.enqueue_indirect_dma source(%dma_start3A_51 : memref<1000000x32xf32, #tpu.memory_space<hbm>>) target(%dma_start3A_45 : memref<128x32xf32, #tpu.memory_space<vmem>>) offsets(%dma_start3A_48 : memref<128xi32, #tpu.memory_space<vmem>>) semaphore(%arg7 : memref<!tpu.dma_semaphore, #tpu.memory_space<semaphore_mem>>)
    %dma_start3A_52 = arith.constant 4 : i32
    %dma_start3A_53 = arith.constant 0 : i32
    %dma_start3A_54 = arith.constant 4 : i32
    %dma_start3A_55 = arith.constant 0 : i32
    %dma_start3A_56 = arith.constant 0 : i32
    %dma_start3A_57 = tpu.memref_slice %arg6[%dma_start3A_53, %dma_start3A_54, %dma_start3A_55, %dma_start3A_56] : memref<2x10x128x32xf32, #tpu.memory_space<vmem>> -> memref<1x1x128x32xf32, #tpu.memory_space<vmem>>
    %dma_start3A_58 = tpu.memref_squeeze %dma_start3A_57 : memref<1x1x128x32xf32, #tpu.memory_space<vmem>> -> memref<128x32xf32, #tpu.memory_space<vmem>>
    %dma_start3A_59 = arith.constant 0 : i32
    %dma_start3A_60 = tpu.memref_slice %arg5[%dma_start3A_52, %dma_start3A_59] : memref<200x128xi32, #tpu.memory_space<vmem>> -> memref<1x128xi32, #tpu.memory_space<vmem>>
    %dma_start3A_61 = tpu.memref_squeeze %dma_start3A_60 : memref<1x128xi32, #tpu.memory_space<vmem>> -> memref<128xi32, #tpu.memory_space<vmem>>
    %dma_start3A_62 = arith.constant 0 : i32
    %dma_start3A_63 = arith.constant 0 : i32
    %dma_start3A_64 = tpu.memref_slice %arg3[%dma_start3A_62, %dma_start3A_63] : memref<1000000x32xf32, #tpu.memory_space<hbm>> -> memref<1000000x32xf32, #tpu.memory_space<hbm>>
    tpu.enqueue_indirect_dma source(%dma_start3A_64 : memref<1000000x32xf32, #tpu.memory_space<hbm>>) target(%dma_start3A_58 : memref<128x32xf32, #tpu.memory_space<vmem>>) offsets(%dma_start3A_61 : memref<128xi32, #tpu.memory_space<vmem>>) semaphore(%arg7 : memref<!tpu.dma_semaphore, #tpu.memory_space<semaphore_mem>>)
    %dma_start3A_65 = arith.constant 5 : i32
    %dma_start3A_66 = arith.constant 0 : i32
    %dma_start3A_67 = arith.constant 5 : i32
    %dma_start3A_68 = arith.constant 0 : i32
    %dma_start3A_69 = arith.constant 0 : i32
    %dma_start3A_70 = tpu.memref_slice %arg6[%dma_start3A_66, %dma_start3A_67, %dma_start3A_68, %dma_start3A_69] : memref<2x10x128x32xf32, #tpu.memory_space<vmem>> -> memref<1x1x128x32xf32, #tpu.memory_space<vmem>>
    %dma_start3A_71 = tpu.memref_squeeze %dma_start3A_70 : memref<1x1x128x32xf32, #tpu.memory_space<vmem>> -> memref<128x32xf32, #tpu.memory_space<vmem>>
    %dma_start3A_72 = arith.constant 0 : i32
    %dma_start3A_73 = tpu.memref_slice %arg5[%dma_start3A_65, %dma_start3A_72] : memref<200x128xi32, #tpu.memory_space<vmem>> -> memref<1x128xi32, #tpu.memory_space<vmem>>
    %dma_start3A_74 = tpu.memref_squeeze %dma_start3A_73 : memref<1x128xi32, #tpu.memory_space<vmem>> -> memref<128xi32, #tpu.memory_space<vmem>>
    %dma_start3A_75 = arith.constant 0 : i32
    %dma_start3A_76 = arith.constant 0 : i32
    %dma_start3A_77 = tpu.memref_slice %arg3[%dma_start3A_75, %dma_start3A_76] : memref<1000000x32xf32, #tpu.memory_space<hbm>> -> memref<1000000x32xf32, #tpu.memory_space<hbm>>
    tpu.enqueue_indirect_dma source(%dma_start3A_77 : memref<1000000x32xf32, #tpu.memory_space<hbm>>) target(%dma_start3A_71 : memref<128x32xf32, #tpu.memory_space<vmem>>) offsets(%dma_start3A_74 : memref<128xi32, #tpu.memory_space<vmem>>) semaphore(%arg7 : memref<!tpu.dma_semaphore, #tpu.memory_space<semaphore_mem>>)
    %dma_start3A_78 = arith.constant 6 : i32
    %dma_start3A_79 = arith.constant 0 : i32
    %dma_start3A_80 = arith.constant 6 : i32
    %dma_start3A_81 = arith.constant 0 : i32
    %dma_start3A_82 = arith.constant 0 : i32
    %dma_start3A_83 = tpu.memref_slice %arg6[%dma_start3A_79, %dma_start3A_80, %dma_start3A_81, %dma_start3A_82] : memref<2x10x128x32xf32, #tpu.memory_space<vmem>> -> memref<1x1x128x32xf32, #tpu.memory_space<vmem>>
    %dma_start3A_84 = tpu.memref_squeeze %dma_start3A_83 : memref<1x1x128x32xf32, #tpu.memory_space<vmem>> -> memref<128x32xf32, #tpu.memory_space<vmem>>
    %dma_start3A_85 = arith.constant 0 : i32
    %dma_start3A_86 = tpu.memref_slice %arg5[%dma_start3A_78, %dma_start3A_85] : memref<200x128xi32, #tpu.memory_space<vmem>> -> memref<1x128xi32, #tpu.memory_space<vmem>>
    %dma_start3A_87 = tpu.memref_squeeze %dma_start3A_86 : memref<1x128xi32, #tpu.memory_space<vmem>> -> memref<128xi32, #tpu.memory_space<vmem>>
    %dma_start3A_88 = arith.constant 0 : i32
    %dma_start3A_89 = arith.constant 0 : i32
    %dma_start3A_90 = tpu.memref_slice %arg3[%dma_start3A_88, %dma_start3A_89] : memref<1000000x32xf32, #tpu.memory_space<hbm>> -> memref<1000000x32xf32, #tpu.memory_space<hbm>>
    tpu.enqueue_indirect_dma source(%dma_start3A_90 : memref<1000000x32xf32, #tpu.memory_space<hbm>>) target(%dma_start3A_84 : memref<128x32xf32, #tpu.memory_space<vmem>>) offsets(%dma_start3A_87 : memref<128xi32, #tpu.memory_space<vmem>>) semaphore(%arg7 : memref<!tpu.dma_semaphore, #tpu.memory_space<semaphore_mem>>)
    %dma_start3A_91 = arith.constant 7 : i32
    %dma_start3A_92 = arith.constant 0 : i32
    %dma_start3A_93 = arith.constant 7 : i32
    %dma_start3A_94 = arith.constant 0 : i32
    %dma_start3A_95 = arith.constant 0 : i32
    %dma_start3A_96 = tpu.memref_slice %arg6[%dma_start3A_92, %dma_start3A_93, %dma_start3A_94, %dma_start3A_95] : memref<2x10x128x32xf32, #tpu.memory_space<vmem>> -> memref<1x1x128x32xf32, #tpu.memory_space<vmem>>
    %dma_start3A_97 = tpu.memref_squeeze %dma_start3A_96 : memref<1x1x128x32xf32, #tpu.memory_space<vmem>> -> memref<128x32xf32, #tpu.memory_space<vmem>>
    %dma_start3A_98 = arith.constant 0 : i32
    %dma_start3A_99 = tpu.memref_slice %arg5[%dma_start3A_91, %dma_start3A_98] : memref<200x128xi32, #tpu.memory_space<vmem>> -> memref<1x128xi32, #tpu.memory_space<vmem>>
    %dma_start3A_100 = tpu.memref_squeeze %dma_start3A_99 : memref<1x128xi32, #tpu.memory_space<vmem>> -> memref<128xi32, #tpu.memory_space<vmem>>
    %dma_start3A_101 = arith.constant 0 : i32
    %dma_start3A_102 = arith.constant 0 : i32
    %dma_start3A_103 = tpu.memref_slice %arg3[%dma_start3A_101, %dma_start3A_102] : memref<1000000x32xf32, #tpu.memory_space<hbm>> -> memref<1000000x32xf32, #tpu.memory_space<hbm>>
    tpu.enqueue_indirect_dma source(%dma_start3A_103 : memref<1000000x32xf32, #tpu.memory_space<hbm>>) target(%dma_start3A_97 : memref<128x32xf32, #tpu.memory_space<vmem>>) offsets(%dma_start3A_100 : memref<128xi32, #tpu.memory_space<vmem>>) semaphore(%arg7 : memref<!tpu.dma_semaphore, #tpu.memory_space<semaphore_mem>>)
    %dma_start3A_104 = arith.constant 8 : i32
    %dma_start3A_105 = arith.constant 0 : i32
    %dma_start3A_106 = arith.constant 8 : i32
    %dma_start3A_107 = arith.constant 0 : i32
    %dma_start3A_108 = arith.constant 0 : i32
    %dma_start3A_109 = tpu.memref_slice %arg6[%dma_start3A_105, %dma_start3A_106, %dma_start3A_107, %dma_start3A_108] : memref<2x10x128x32xf32, #tpu.memory_space<vmem>> -> memref<1x1x128x32xf32, #tpu.memory_space<vmem>>
    %dma_start3A_110 = tpu.memref_squeeze %dma_start3A_109 : memref<1x1x128x32xf32, #tpu.memory_space<vmem>> -> memref<128x32xf32, #tpu.memory_space<vmem>>
    %dma_start3A_111 = arith.constant 0 : i32
    %dma_start3A_112 = tpu.memref_slice %arg5[%dma_start3A_104, %dma_start3A_111] : memref<200x128xi32, #tpu.memory_space<vmem>> -> memref<1x128xi32, #tpu.memory_space<vmem>>
    %dma_start3A_113 = tpu.memref_squeeze %dma_start3A_112 : memref<1x128xi32, #tpu.memory_space<vmem>> -> memref<128xi32, #tpu.memory_space<vmem>>
    %dma_start3A_114 = arith.constant 0 : i32
    %dma_start3A_115 = arith.constant 0 : i32
    %dma_start3A_116 = tpu.memref_slice %arg3[%dma_start3A_114, %dma_start3A_115] : memref<1000000x32xf32, #tpu.memory_space<hbm>> -> memref<1000000x32xf32, #tpu.memory_space<hbm>>
    tpu.enqueue_indirect_dma source(%dma_start3A_116 : memref<1000000x32xf32, #tpu.memory_space<hbm>>) target(%dma_start3A_110 : memref<128x32xf32, #tpu.memory_space<vmem>>) offsets(%dma_start3A_113 : memref<128xi32, #tpu.memory_space<vmem>>) semaphore(%arg7 : memref<!tpu.dma_semaphore, #tpu.memory_space<semaphore_mem>>)
    %dma_start3A_117 = arith.constant 9 : i32
    %dma_start3A_118 = arith.constant 0 : i32
    %dma_start3A_119 = arith.constant 9 : i32
    %dma_start3A_120 = arith.constant 0 : i32
    %dma_start3A_121 = arith.constant 0 : i32
    %dma_start3A_122 = tpu.memref_slice %arg6[%dma_start3A_118, %dma_start3A_119, %dma_start3A_120, %dma_start3A_121] : memref<2x10x128x32xf32, #tpu.memory_space<vmem>> -> memref<1x1x128x32xf32, #tpu.memory_space<vmem>>
    %dma_start3A_123 = tpu.memref_squeeze %dma_start3A_122 : memref<1x1x128x32xf32, #tpu.memory_space<vmem>> -> memref<128x32xf32, #tpu.memory_space<vmem>>
    %dma_start3A_124 = arith.constant 0 : i32
    %dma_start3A_125 = tpu.memref_slice %arg5[%dma_start3A_117, %dma_start3A_124] : memref<200x128xi32, #tpu.memory_space<vmem>> -> memref<1x128xi32, #tpu.memory_space<vmem>>
    %dma_start3A_126 = tpu.memref_squeeze %dma_start3A_125 : memref<1x128xi32, #tpu.memory_space<vmem>> -> memref<128xi32, #tpu.memory_space<vmem>>
    %dma_start3A_127 = arith.constant 0 : i32
    %dma_start3A_128 = arith.constant 0 : i32
    %dma_start3A_129 = tpu.memref_slice %arg3[%dma_start3A_127, %dma_start3A_128] : memref<1000000x32xf32, #tpu.memory_space<hbm>> -> memref<1000000x32xf32, #tpu.memory_space<hbm>>
    tpu.enqueue_indirect_dma source(%dma_start3A_129 : memref<1000000x32xf32, #tpu.memory_space<hbm>>) target(%dma_start3A_123 : memref<128x32xf32, #tpu.memory_space<vmem>>) offsets(%dma_start3A_126 : memref<128xi32, #tpu.memory_space<vmem>>) semaphore(%arg7 : memref<!tpu.dma_semaphore, #tpu.memory_space<semaphore_mem>>)
    %scan3A = arith.constant 0 : i32
    %scan3A_130 = arith.constant 0 : i32
    %scan3A_131 = arith.constant 10 : i32
    %scan3A_132 = arith.addi %scan3A_130, %scan3A_131 : i32
    %scan3A_133 = arith.constant 1 : i32
    scf.for %scan3A_176 = %scan3A_130 to %scan3A_132 step %scan3A_133  : i32 {
      %mul3A_177 = arith.constant 2 : i32
      %mul3A_178 = arith.muli %mul3A_177, %scan3A_176 : i32
      %add3A_179 = arith.constant 0 : i32
      %add3A_180 = arith.addi %mul3A_178, %add3A_179 : i32
      %dma_wait3A_181 = arith.constant 0 : i32
      %dma_wait3A_182 = arith.constant 0 : i32
      %dma_wait3A_183 = arith.constant 0 : i32
      %dma_wait3A_184 = arith.constant 0 : i32
      %dma_wait3A_185 = arith.constant 0 : i32
      %dma_wait3A_186 = tpu.memref_slice %arg6[%dma_wait3A_182, %dma_wait3A_183, %dma_wait3A_184, %dma_wait3A_185] : memref<2x10x128x32xf32, #tpu.memory_space<vmem>> -> memref<1x1x128x32xf32, #tpu.memory_space<vmem>>
      %dma_wait3A_187 = tpu.memref_squeeze %dma_wait3A_186 : memref<1x1x128x32xf32, #tpu.memory_space<vmem>> -> memref<128x32xf32, #tpu.memory_space<vmem>>
      %dma_wait3A_188 = arith.constant 0 : i32
      %dma_wait3A_189 = tpu.memref_slice %arg5[%dma_wait3A_181, %dma_wait3A_188] : memref<200x128xi32, #tpu.memory_space<vmem>> -> memref<1x128xi32, #tpu.memory_space<vmem>>
      %dma_wait3A_190 = tpu.memref_squeeze %dma_wait3A_189 : memref<1x128xi32, #tpu.memory_space<vmem>> -> memref<128xi32, #tpu.memory_space<vmem>>
      %dma_wait3A_191 = arith.constant 0 : i32
      %dma_wait3A_192 = arith.constant 0 : i32
      %dma_wait3A_193 = tpu.memref_slice %arg3[%dma_wait3A_191, %dma_wait3A_192] : memref<1000000x32xf32, #tpu.memory_space<hbm>> -> memref<1000000x32xf32, #tpu.memory_space<hbm>>
      tpu.wait_indirect_dma semaphore(%arg7 : memref<!tpu.dma_semaphore, #tpu.memory_space<semaphore_mem>>) src(%dma_wait3A_193 : memref<1000000x32xf32, #tpu.memory_space<hbm>>) dst(%dma_wait3A_187 : memref<128x32xf32, #tpu.memory_space<vmem>>)
      %dma_wait3A_194 = arith.constant 1 : i32
      %dma_wait3A_195 = arith.constant 0 : i32
      %dma_wait3A_196 = arith.constant 1 : i32
      %dma_wait3A_197 = arith.constant 0 : i32
      %dma_wait3A_198 = arith.constant 0 : i32
      %dma_wait3A_199 = tpu.memref_slice %arg6[%dma_wait3A_195, %dma_wait3A_196, %dma_wait3A_197, %dma_wait3A_198] : memref<2x10x128x32xf32, #tpu.memory_space<vmem>> -> memref<1x1x128x32xf32, #tpu.memory_space<vmem>>
      %dma_wait3A_200 = tpu.memref_squeeze %dma_wait3A_199 : memref<1x1x128x32xf32, #tpu.memory_space<vmem>> -> memref<128x32xf32, #tpu.memory_space<vmem>>
      %dma_wait3A_201 = arith.constant 0 : i32
      %dma_wait3A_202 = tpu.memref_slice %arg5[%dma_wait3A_194, %dma_wait3A_201] : memref<200x128xi32, #tpu.memory_space<vmem>> -> memref<1x128xi32, #tpu.memory_space<vmem>>
      %dma_wait3A_203 = tpu.memref_squeeze %dma_wait3A_202 : memref<1x128xi32, #tpu.memory_space<vmem>> -> memref<128xi32, #tpu.memory_space<vmem>>
      %dma_wait3A_204 = arith.constant 0 : i32
      %dma_wait3A_205 = arith.constant 0 : i32
      %dma_wait3A_206 = tpu.memref_slice %arg3[%dma_wait3A_204, %dma_wait3A_205] : memref<1000000x32xf32, #tpu.memory_space<hbm>> -> memref<1000000x32xf32, #tpu.memory_space<hbm>>
      tpu.wait_indirect_dma semaphore(%arg7 : memref<!tpu.dma_semaphore, #tpu.memory_space<semaphore_mem>>) src(%dma_wait3A_206 : memref<1000000x32xf32, #tpu.memory_space<hbm>>) dst(%dma_wait3A_200 : memref<128x32xf32, #tpu.memory_space<vmem>>)
      %dma_wait3A_207 = arith.constant 2 : i32
      %dma_wait3A_208 = arith.constant 0 : i32
      %dma_wait3A_209 = arith.constant 2 : i32
      %dma_wait3A_210 = arith.constant 0 : i32
      %dma_wait3A_211 = arith.constant 0 : i32
      %dma_wait3A_212 = tpu.memref_slice %arg6[%dma_wait3A_208, %dma_wait3A_209, %dma_wait3A_210, %dma_wait3A_211] : memref<2x10x128x32xf32, #tpu.memory_space<vmem>> -> memref<1x1x128x32xf32, #tpu.memory_space<vmem>>
      %dma_wait3A_213 = tpu.memref_squeeze %dma_wait3A_212 : memref<1x1x128x32xf32, #tpu.memory_space<vmem>> -> memref<128x32xf32, #tpu.memory_space<vmem>>
      %dma_wait3A_214 = arith.constant 0 : i32
      %dma_wait3A_215 = tpu.memref_slice %arg5[%dma_wait3A_207, %dma_wait3A_214] : memref<200x128xi32, #tpu.memory_space<vmem>> -> memref<1x128xi32, #tpu.memory_space<vmem>>
      %dma_wait3A_216 = tpu.memref_squeeze %dma_wait3A_215 : memref<1x128xi32, #tpu.memory_space<vmem>> -> memref<128xi32, #tpu.memory_space<vmem>>
      %dma_wait3A_217 = arith.constant 0 : i32
      %dma_wait3A_218 = arith.constant 0 : i32
      %dma_wait3A_219 = tpu.memref_slice %arg3[%dma_wait3A_217, %dma_wait3A_218] : memref<1000000x32xf32, #tpu.memory_space<hbm>> -> memref<1000000x32xf32, #tpu.memory_space<hbm>>
      tpu.wait_indirect_dma semaphore(%arg7 : memref<!tpu.dma_semaphore, #tpu.memory_space<semaphore_mem>>) src(%dma_wait3A_219 : memref<1000000x32xf32, #tpu.memory_space<hbm>>) dst(%dma_wait3A_213 : memref<128x32xf32, #tpu.memory_space<vmem>>)
      %dma_wait3A_220 = arith.constant 3 : i32
      %dma_wait3A_221 = arith.constant 0 : i32
      %dma_wait3A_222 = arith.constant 3 : i32
      %dma_wait3A_223 = arith.constant 0 : i32
      %dma_wait3A_224 = arith.constant 0 : i32
      %dma_wait3A_225 = tpu.memref_slice %arg6[%dma_wait3A_221, %dma_wait3A_222, %dma_wait3A_223, %dma_wait3A_224] : memref<2x10x128x32xf32, #tpu.memory_space<vmem>> -> memref<1x1x128x32xf32, #tpu.memory_space<vmem>>
      %dma_wait3A_226 = tpu.memref_squeeze %dma_wait3A_225 : memref<1x1x128x32xf32, #tpu.memory_space<vmem>> -> memref<128x32xf32, #tpu.memory_space<vmem>>
      %dma_wait3A_227 = arith.constant 0 : i32
      %dma_wait3A_228 = tpu.memref_slice %arg5[%dma_wait3A_220, %dma_wait3A_227] : memref<200x128xi32, #tpu.memory_space<vmem>> -> memref<1x128xi32, #tpu.memory_space<vmem>>
      %dma_wait3A_229 = tpu.memref_squeeze %dma_wait3A_228 : memref<1x128xi32, #tpu.memory_space<vmem>> -> memref<128xi32, #tpu.memory_space<vmem>>
      %dma_wait3A_230 = arith.constant 0 : i32
      %dma_wait3A_231 = arith.constant 0 : i32
      %dma_wait3A_232 = tpu.memref_slice %arg3[%dma_wait3A_230, %dma_wait3A_231] : memref<1000000x32xf32, #tpu.memory_space<hbm>> -> memref<1000000x32xf32, #tpu.memory_space<hbm>>
      tpu.wait_indirect_dma semaphore(%arg7 : memref<!tpu.dma_semaphore, #tpu.memory_space<semaphore_mem>>) src(%dma_wait3A_232 : memref<1000000x32xf32, #tpu.memory_space<hbm>>) dst(%dma_wait3A_226 : memref<128x32xf32, #tpu.memory_space<vmem>>)
      %dma_wait3A_233 = arith.constant 4 : i32
      %dma_wait3A_234 = arith.constant 0 : i32
      %dma_wait3A_235 = arith.constant 4 : i32
      %dma_wait3A_236 = arith.constant 0 : i32
      %dma_wait3A_237 = arith.constant 0 : i32
      %dma_wait3A_238 = tpu.memref_slice %arg6[%dma_wait3A_234, %dma_wait3A_235, %dma_wait3A_236, %dma_wait3A_237] : memref<2x10x128x32xf32, #tpu.memory_space<vmem>> -> memref<1x1x128x32xf32, #tpu.memory_space<vmem>>
      %dma_wait3A_239 = tpu.memref_squeeze %dma_wait3A_238 : memref<1x1x128x32xf32, #tpu.memory_space<vmem>> -> memref<128x32xf32, #tpu.memory_space<vmem>>
      %dma_wait3A_240 = arith.constant 0 : i32
      %dma_wait3A_241 = tpu.memref_slice %arg5[%dma_wait3A_233, %dma_wait3A_240] : memref<200x128xi32, #tpu.memory_space<vmem>> -> memref<1x128xi32, #tpu.memory_space<vmem>>
      %dma_wait3A_242 = tpu.memref_squeeze %dma_wait3A_241 : memref<1x128xi32, #tpu.memory_space<vmem>> -> memref<128xi32, #tpu.memory_space<vmem>>
      %dma_wait3A_243 = arith.constant 0 : i32
      %dma_wait3A_244 = arith.constant 0 : i32
      %dma_wait3A_245 = tpu.memref_slice %arg3[%dma_wait3A_243, %dma_wait3A_244] : memref<1000000x32xf32, #tpu.memory_space<hbm>> -> memref<1000000x32xf32, #tpu.memory_space<hbm>>
      tpu.wait_indirect_dma semaphore(%arg7 : memref<!tpu.dma_semaphore, #tpu.memory_space<semaphore_mem>>) src(%dma_wait3A_245 : memref<1000000x32xf32, #tpu.memory_space<hbm>>) dst(%dma_wait3A_239 : memref<128x32xf32, #tpu.memory_space<vmem>>)
      %dma_wait3A_246 = arith.constant 5 : i32
      %dma_wait3A_247 = arith.constant 0 : i32
      %dma_wait3A_248 = arith.constant 5 : i32
      %dma_wait3A_249 = arith.constant 0 : i32
      %dma_wait3A_250 = arith.constant 0 : i32
      %dma_wait3A_251 = tpu.memref_slice %arg6[%dma_wait3A_247, %dma_wait3A_248, %dma_wait3A_249, %dma_wait3A_250] : memref<2x10x128x32xf32, #tpu.memory_space<vmem>> -> memref<1x1x128x32xf32, #tpu.memory_space<vmem>>
      %dma_wait3A_252 = tpu.memref_squeeze %dma_wait3A_251 : memref<1x1x128x32xf32, #tpu.memory_space<vmem>> -> memref<128x32xf32, #tpu.memory_space<vmem>>
      %dma_wait3A_253 = arith.constant 0 : i32
      %dma_wait3A_254 = tpu.memref_slice %arg5[%dma_wait3A_246, %dma_wait3A_253] : memref<200x128xi32, #tpu.memory_space<vmem>> -> memref<1x128xi32, #tpu.memory_space<vmem>>
      %dma_wait3A_255 = tpu.memref_squeeze %dma_wait3A_254 : memref<1x128xi32, #tpu.memory_space<vmem>> -> memref<128xi32, #tpu.memory_space<vmem>>
      %dma_wait3A_256 = arith.constant 0 : i32
      %dma_wait3A_257 = arith.constant 0 : i32
      %dma_wait3A_258 = tpu.memref_slice %arg3[%dma_wait3A_256, %dma_wait3A_257] : memref<1000000x32xf32, #tpu.memory_space<hbm>> -> memref<1000000x32xf32, #tpu.memory_space<hbm>>
      tpu.wait_indirect_dma semaphore(%arg7 : memref<!tpu.dma_semaphore, #tpu.memory_space<semaphore_mem>>) src(%dma_wait3A_258 : memref<1000000x32xf32, #tpu.memory_space<hbm>>) dst(%dma_wait3A_252 : memref<128x32xf32, #tpu.memory_space<vmem>>)
      %dma_wait3A_259 = arith.constant 6 : i32
      %dma_wait3A_260 = arith.constant 0 : i32
      %dma_wait3A_261 = arith.constant 6 : i32
      %dma_wait3A_262 = arith.constant 0 : i32
      %dma_wait3A_263 = arith.constant 0 : i32
      %dma_wait3A_264 = tpu.memref_slice %arg6[%dma_wait3A_260, %dma_wait3A_261, %dma_wait3A_262, %dma_wait3A_263] : memref<2x10x128x32xf32, #tpu.memory_space<vmem>> -> memref<1x1x128x32xf32, #tpu.memory_space<vmem>>
      %dma_wait3A_265 = tpu.memref_squeeze %dma_wait3A_264 : memref<1x1x128x32xf32, #tpu.memory_space<vmem>> -> memref<128x32xf32, #tpu.memory_space<vmem>>
      %dma_wait3A_266 = arith.constant 0 : i32
      %dma_wait3A_267 = tpu.memref_slice %arg5[%dma_wait3A_259, %dma_wait3A_266] : memref<200x128xi32, #tpu.memory_space<vmem>> -> memref<1x128xi32, #tpu.memory_space<vmem>>
      %dma_wait3A_268 = tpu.memref_squeeze %dma_wait3A_267 : memref<1x128xi32, #tpu.memory_space<vmem>> -> memref<128xi32, #tpu.memory_space<vmem>>
      %dma_wait3A_269 = arith.constant 0 : i32
      %dma_wait3A_270 = arith.constant 0 : i32
      %dma_wait3A_271 = tpu.memref_slice %arg3[%dma_wait3A_269, %dma_wait3A_270] : memref<1000000x32xf32, #tpu.memory_space<hbm>> -> memref<1000000x32xf32, #tpu.memory_space<hbm>>
      tpu.wait_indirect_dma semaphore(%arg7 : memref<!tpu.dma_semaphore, #tpu.memory_space<semaphore_mem>>) src(%dma_wait3A_271 : memref<1000000x32xf32, #tpu.memory_space<hbm>>) dst(%dma_wait3A_265 : memref<128x32xf32, #tpu.memory_space<vmem>>)
      %dma_wait3A_272 = arith.constant 7 : i32
      %dma_wait3A_273 = arith.constant 0 : i32
      %dma_wait3A_274 = arith.constant 7 : i32
      %dma_wait3A_275 = arith.constant 0 : i32
      %dma_wait3A_276 = arith.constant 0 : i32
      %dma_wait3A_277 = tpu.memref_slice %arg6[%dma_wait3A_273, %dma_wait3A_274, %dma_wait3A_275, %dma_wait3A_276] : memref<2x10x128x32xf32, #tpu.memory_space<vmem>> -> memref<1x1x128x32xf32, #tpu.memory_space<vmem>>
      %dma_wait3A_278 = tpu.memref_squeeze %dma_wait3A_277 : memref<1x1x128x32xf32, #tpu.memory_space<vmem>> -> memref<128x32xf32, #tpu.memory_space<vmem>>
      %dma_wait3A_279 = arith.constant 0 : i32
      %dma_wait3A_280 = tpu.memref_slice %arg5[%dma_wait3A_272, %dma_wait3A_279] : memref<200x128xi32, #tpu.memory_space<vmem>> -> memref<1x128xi32, #tpu.memory_space<vmem>>
      %dma_wait3A_281 = tpu.memref_squeeze %dma_wait3A_280 : memref<1x128xi32, #tpu.memory_space<vmem>> -> memref<128xi32, #tpu.memory_space<vmem>>
      %dma_wait3A_282 = arith.constant 0 : i32
      %dma_wait3A_283 = arith.constant 0 : i32
      %dma_wait3A_284 = tpu.memref_slice %arg3[%dma_wait3A_282, %dma_wait3A_283] : memref<1000000x32xf32, #tpu.memory_space<hbm>> -> memref<1000000x32xf32, #tpu.memory_space<hbm>>
      tpu.wait_indirect_dma semaphore(%arg7 : memref<!tpu.dma_semaphore, #tpu.memory_space<semaphore_mem>>) src(%dma_wait3A_284 : memref<1000000x32xf32, #tpu.memory_space<hbm>>) dst(%dma_wait3A_278 : memref<128x32xf32, #tpu.memory_space<vmem>>)
      %dma_wait3A_285 = arith.constant 8 : i32
      %dma_wait3A_286 = arith.constant 0 : i32
      %dma_wait3A_287 = arith.constant 8 : i32
      %dma_wait3A_288 = arith.constant 0 : i32
      %dma_wait3A_289 = arith.constant 0 : i32
      %dma_wait3A_290 = tpu.memref_slice %arg6[%dma_wait3A_286, %dma_wait3A_287, %dma_wait3A_288, %dma_wait3A_289] : memref<2x10x128x32xf32, #tpu.memory_space<vmem>> -> memref<1x1x128x32xf32, #tpu.memory_space<vmem>>
      %dma_wait3A_291 = tpu.memref_squeeze %dma_wait3A_290 : memref<1x1x128x32xf32, #tpu.memory_space<vmem>> -> memref<128x32xf32, #tpu.memory_space<vmem>>
      %dma_wait3A_292 = arith.constant 0 : i32
      %dma_wait3A_293 = tpu.memref_slice %arg5[%dma_wait3A_285, %dma_wait3A_292] : memref<200x128xi32, #tpu.memory_space<vmem>> -> memref<1x128xi32, #tpu.memory_space<vmem>>
      %dma_wait3A_294 = tpu.memref_squeeze %dma_wait3A_293 : memref<1x128xi32, #tpu.memory_space<vmem>> -> memref<128xi32, #tpu.memory_space<vmem>>
      %dma_wait3A_295 = arith.constant 0 : i32
      %dma_wait3A_296 = arith.constant 0 : i32
      %dma_wait3A_297 = tpu.memref_slice %arg3[%dma_wait3A_295, %dma_wait3A_296] : memref<1000000x32xf32, #tpu.memory_space<hbm>> -> memref<1000000x32xf32, #tpu.memory_space<hbm>>
      tpu.wait_indirect_dma semaphore(%arg7 : memref<!tpu.dma_semaphore, #tpu.memory_space<semaphore_mem>>) src(%dma_wait3A_297 : memref<1000000x32xf32, #tpu.memory_space<hbm>>) dst(%dma_wait3A_291 : memref<128x32xf32, #tpu.memory_space<vmem>>)
      %dma_wait3A_298 = arith.constant 9 : i32
      %dma_wait3A_299 = arith.constant 0 : i32
      %dma_wait3A_300 = arith.constant 9 : i32
      %dma_wait3A_301 = arith.constant 0 : i32
      %dma_wait3A_302 = arith.constant 0 : i32
      %dma_wait3A_303 = tpu.memref_slice %arg6[%dma_wait3A_299, %dma_wait3A_300, %dma_wait3A_301, %dma_wait3A_302] : memref<2x10x128x32xf32, #tpu.memory_space<vmem>> -> memref<1x1x128x32xf32, #tpu.memory_space<vmem>>
      %dma_wait3A_304 = tpu.memref_squeeze %dma_wait3A_303 : memref<1x1x128x32xf32, #tpu.memory_space<vmem>> -> memref<128x32xf32, #tpu.memory_space<vmem>>
      %dma_wait3A_305 = arith.constant 0 : i32
      %dma_wait3A_306 = tpu.memref_slice %arg5[%dma_wait3A_298, %dma_wait3A_305] : memref<200x128xi32, #tpu.memory_space<vmem>> -> memref<1x128xi32, #tpu.memory_space<vmem>>
      %dma_wait3A_307 = tpu.memref_squeeze %dma_wait3A_306 : memref<1x128xi32, #tpu.memory_space<vmem>> -> memref<128xi32, #tpu.memory_space<vmem>>
      %dma_wait3A_308 = arith.constant 0 : i32
      %dma_wait3A_309 = arith.constant 0 : i32
      %dma_wait3A_310 = tpu.memref_slice %arg3[%dma_wait3A_308, %dma_wait3A_309] : memref<1000000x32xf32, #tpu.memory_space<hbm>> -> memref<1000000x32xf32, #tpu.memory_space<hbm>>
      tpu.wait_indirect_dma semaphore(%arg7 : memref<!tpu.dma_semaphore, #tpu.memory_space<semaphore_mem>>) src(%dma_wait3A_310 : memref<1000000x32xf32, #tpu.memory_space<hbm>>) dst(%dma_wait3A_304 : memref<128x32xf32, #tpu.memory_space<vmem>>)
      %mul3A_311 = arith.constant 10 : i32
      %mul3A_312 = arith.muli %add3A_180, %mul3A_311 : i32
      %dma_start3A_313 = arith.constant 0 : i32
      %dma_start3A_314 = arith.constant 0 : i32
      %dma_start3A_315 = arith.constant 0 : i32
      %dma_start3A_316 = arith.constant 0 : i32
      %dma_start3A_317 = tpu.memref_slice %arg6[%dma_start3A_313, %dma_start3A_314, %dma_start3A_315, %dma_start3A_316] : memref<2x10x128x32xf32, #tpu.memory_space<vmem>> -> memref<1x10x128x32xf32, #tpu.memory_space<vmem>>
      %dma_start3A_318 = tpu.memref_squeeze %dma_start3A_317 : memref<1x10x128x32xf32, #tpu.memory_space<vmem>> -> memref<10x128x32xf32, #tpu.memory_space<vmem>>
      %dma_start3A_319 = arith.constant 0 : i32
      %dma_start3A_320 = arith.constant 0 : i32
      %dma_start3A_321 = tpu.memref_slice %arg4[%add3A, %mul3A_312, %dma_start3A_319, %dma_start3A_320] : memref<32x200x128x32xf32, #tpu.memory_space<hbm>> -> memref<1x10x128x32xf32, #tpu.memory_space<hbm>>
      %dma_start3A_322 = tpu.memref_squeeze %dma_start3A_321 : memref<1x10x128x32xf32, #tpu.memory_space<hbm>> -> memref<10x128x32xf32, #tpu.memory_space<hbm>>
      %dma_start3A_323 = arith.constant 0 : i32
      %dma_start3A_324 = arith.constant 0 : i32
      %dma_start3A_325 = tpu.memref_slice %arg4[%add3A, %mul3A_312, %dma_start3A_323, %dma_start3A_324] : memref<32x200x128x32xf32, #tpu.memory_space<hbm>> -> memref<1x10x128x32xf32, #tpu.memory_space<hbm>>
      %dma_start3A_326 = tpu.memref_squeeze %dma_start3A_325 : memref<1x10x128x32xf32, #tpu.memory_space<hbm>> -> memref<10x128x32xf32, #tpu.memory_space<hbm>>
      %dma_start3A_327 = arith.constant 0 : i32
      %dma_start3A_328 = arith.constant 0 : i32
      %dma_start3A_329 = arith.constant 0 : i32
      %dma_start3A_330 = tpu.memref_slice %arg6[%dma_start3A_313, %dma_start3A_327, %dma_start3A_328, %dma_start3A_329] : memref<2x10x128x32xf32, #tpu.memory_space<vmem>> -> memref<1x10x128x32xf32, #tpu.memory_space<vmem>>
      %dma_start3A_331 = tpu.memref_squeeze %dma_start3A_330 : memref<1x10x128x32xf32, #tpu.memory_space<vmem>> -> memref<10x128x32xf32, #tpu.memory_space<vmem>>
      tpu.enqueue_dma source(%dma_start3A_331 : memref<10x128x32xf32, #tpu.memory_space<vmem>>) target(%dma_start3A_326 : memref<10x128x32xf32, #tpu.memory_space<hbm>>) target_semaphore(%arg9 : memref<!tpu.dma_semaphore, #tpu.memory_space<semaphore_mem>>)
      %ge3A = arith.constant 1 : i32
      %ge3A_332 = arith.cmpi sge, %scan3A_176, %ge3A : i32
      %convert_element_type3A = arith.extui %ge3A_332 : i1 to i32
      %cond3A = arith.constant 0 : i32
      %cond3A_333 = arith.cmpi ne, %convert_element_type3A, %cond3A : i32
      scf.if %cond3A_333 {
        %dma_wait3A_655 = arith.constant 1 : i32
        %dma_wait3A_656 = arith.constant 0 : i32
        %dma_wait3A_657 = arith.constant 0 : i32
        %dma_wait3A_658 = arith.constant 0 : i32
        %dma_wait3A_659 = tpu.memref_slice %arg6[%dma_wait3A_655, %dma_wait3A_656, %dma_wait3A_657, %dma_wait3A_658] : memref<2x10x128x32xf32, #tpu.memory_space<vmem>> -> memref<1x10x128x32xf32, #tpu.memory_space<vmem>>
        %dma_wait3A_660 = tpu.memref_squeeze %dma_wait3A_659 : memref<1x10x128x32xf32, #tpu.memory_space<vmem>> -> memref<10x128x32xf32, #tpu.memory_space<vmem>>
        %dma_wait3A_661 = arith.constant 0 : i32
        %dma_wait3A_662 = arith.constant 0 : i32
        %dma_wait3A_663 = arith.constant 0 : i32
        %dma_wait3A_664 = tpu.memref_slice %arg4[%add3A, %dma_wait3A_661, %dma_wait3A_662, %dma_wait3A_663] : memref<32x200x128x32xf32, #tpu.memory_space<hbm>> -> memref<1x10x128x32xf32, #tpu.memory_space<hbm>>
        %dma_wait3A_665 = tpu.memref_squeeze %dma_wait3A_664 : memref<1x10x128x32xf32, #tpu.memory_space<hbm>> -> memref<10x128x32xf32, #tpu.memory_space<hbm>>
        %dma_wait3A_666 = arith.constant 0 : i32
        %dma_wait3A_667 = arith.constant 0 : i32
        %dma_wait3A_668 = arith.constant 0 : i32
        %dma_wait3A_669 = tpu.memref_slice %arg4[%add3A, %dma_wait3A_666, %dma_wait3A_667, %dma_wait3A_668] : memref<32x200x128x32xf32, #tpu.memory_space<hbm>> -> memref<1x10x128x32xf32, #tpu.memory_space<hbm>>
        %dma_wait3A_670 = tpu.memref_squeeze %dma_wait3A_669 : memref<1x10x128x32xf32, #tpu.memory_space<hbm>> -> memref<10x128x32xf32, #tpu.memory_space<hbm>>
        %dma_wait3A_671 = arith.constant 0 : i32
        %dma_wait3A_672 = arith.constant 0 : i32
        %dma_wait3A_673 = arith.constant 0 : i32
        %dma_wait3A_674 = tpu.memref_slice %arg6[%dma_wait3A_655, %dma_wait3A_671, %dma_wait3A_672, %dma_wait3A_673] : memref<2x10x128x32xf32, #tpu.memory_space<vmem>> -> memref<1x10x128x32xf32, #tpu.memory_space<vmem>>
        %dma_wait3A_675 = tpu.memref_squeeze %dma_wait3A_674 : memref<1x10x128x32xf32, #tpu.memory_space<vmem>> -> memref<10x128x32xf32, #tpu.memory_space<vmem>>
        tpu.wait_dma2 semaphore(%arg10 : memref<!tpu.dma_semaphore, #tpu.memory_space<semaphore_mem>>) src(%dma_wait3A_675 : memref<10x128x32xf32, #tpu.memory_space<vmem>>) dst(%dma_wait3A_670 : memref<10x128x32xf32, #tpu.memory_space<hbm>>)
      } else {
      }
      %add3A_334 = arith.constant 1 : i32
      %add3A_335 = arith.addi %add3A_180, %add3A_334 : i32
      %mul3A_336 = arith.constant 10 : i32
      %mul3A_337 = arith.muli %add3A_335, %mul3A_336 : i32
      %add3A_338 = arith.constant 0 : i32
      %add3A_339 = arith.addi %mul3A_337, %add3A_338 : i32
      %dma_start3A_340 = arith.constant 1 : i32
      %dma_start3A_341 = arith.constant 0 : i32
      %dma_start3A_342 = arith.constant 0 : i32
      %dma_start3A_343 = arith.constant 0 : i32
      %dma_start3A_344 = tpu.memref_slice %arg6[%dma_start3A_340, %dma_start3A_341, %dma_start3A_342, %dma_start3A_343] : memref<2x10x128x32xf32, #tpu.memory_space<vmem>> -> memref<1x1x128x32xf32, #tpu.memory_space<vmem>>
      %dma_start3A_345 = tpu.memref_squeeze %dma_start3A_344 : memref<1x1x128x32xf32, #tpu.memory_space<vmem>> -> memref<128x32xf32, #tpu.memory_space<vmem>>
      %dma_start3A_346 = arith.constant 0 : i32
      %dma_start3A_347 = tpu.memref_slice %arg5[%add3A_339, %dma_start3A_346] : memref<200x128xi32, #tpu.memory_space<vmem>> -> memref<1x128xi32, #tpu.memory_space<vmem>>
      %dma_start3A_348 = tpu.memref_squeeze %dma_start3A_347 : memref<1x128xi32, #tpu.memory_space<vmem>> -> memref<128xi32, #tpu.memory_space<vmem>>
      %dma_start3A_349 = arith.constant 0 : i32
      %dma_start3A_350 = arith.constant 0 : i32
      %dma_start3A_351 = tpu.memref_slice %arg3[%dma_start3A_349, %dma_start3A_350] : memref<1000000x32xf32, #tpu.memory_space<hbm>> -> memref<1000000x32xf32, #tpu.memory_space<hbm>>
      tpu.enqueue_indirect_dma source(%dma_start3A_351 : memref<1000000x32xf32, #tpu.memory_space<hbm>>) target(%dma_start3A_345 : memref<128x32xf32, #tpu.memory_space<vmem>>) offsets(%dma_start3A_348 : memref<128xi32, #tpu.memory_space<vmem>>) semaphore(%arg8 : memref<!tpu.dma_semaphore, #tpu.memory_space<semaphore_mem>>)
      %mul3A_352 = arith.constant 10 : i32
      %mul3A_353 = arith.muli %add3A_335, %mul3A_352 : i32
      %add3A_354 = arith.constant 1 : i32
      %add3A_355 = arith.addi %mul3A_353, %add3A_354 : i32
      %dma_start3A_356 = arith.constant 1 : i32
      %dma_start3A_357 = arith.constant 1 : i32
      %dma_start3A_358 = arith.constant 0 : i32
      %dma_start3A_359 = arith.constant 0 : i32
      %dma_start3A_360 = tpu.memref_slice %arg6[%dma_start3A_356, %dma_start3A_357, %dma_start3A_358, %dma_start3A_359] : memref<2x10x128x32xf32, #tpu.memory_space<vmem>> -> memref<1x1x128x32xf32, #tpu.memory_space<vmem>>
      %dma_start3A_361 = tpu.memref_squeeze %dma_start3A_360 : memref<1x1x128x32xf32, #tpu.memory_space<vmem>> -> memref<128x32xf32, #tpu.memory_space<vmem>>
      %dma_start3A_362 = arith.constant 0 : i32
      %dma_start3A_363 = tpu.memref_slice %arg5[%add3A_355, %dma_start3A_362] : memref<200x128xi32, #tpu.memory_space<vmem>> -> memref<1x128xi32, #tpu.memory_space<vmem>>
      %dma_start3A_364 = tpu.memref_squeeze %dma_start3A_363 : memref<1x128xi32, #tpu.memory_space<vmem>> -> memref<128xi32, #tpu.memory_space<vmem>>
      %dma_start3A_365 = arith.constant 0 : i32
      %dma_start3A_366 = arith.constant 0 : i32
      %dma_start3A_367 = tpu.memref_slice %arg3[%dma_start3A_365, %dma_start3A_366] : memref<1000000x32xf32, #tpu.memory_space<hbm>> -> memref<1000000x32xf32, #tpu.memory_space<hbm>>
      tpu.enqueue_indirect_dma source(%dma_start3A_367 : memref<1000000x32xf32, #tpu.memory_space<hbm>>) target(%dma_start3A_361 : memref<128x32xf32, #tpu.memory_space<vmem>>) offsets(%dma_start3A_364 : memref<128xi32, #tpu.memory_space<vmem>>) semaphore(%arg8 : memref<!tpu.dma_semaphore, #tpu.memory_space<semaphore_mem>>)
      %mul3A_368 = arith.constant 10 : i32
      %mul3A_369 = arith.muli %add3A_335, %mul3A_368 : i32
      %add3A_370 = arith.constant 2 : i32
      %add3A_371 = arith.addi %mul3A_369, %add3A_370 : i32
      %dma_start3A_372 = arith.constant 1 : i32
      %dma_start3A_373 = arith.constant 2 : i32
      %dma_start3A_374 = arith.constant 0 : i32
      %dma_start3A_375 = arith.constant 0 : i32
      %dma_start3A_376 = tpu.memref_slice %arg6[%dma_start3A_372, %dma_start3A_373, %dma_start3A_374, %dma_start3A_375] : memref<2x10x128x32xf32, #tpu.memory_space<vmem>> -> memref<1x1x128x32xf32, #tpu.memory_space<vmem>>
      %dma_start3A_377 = tpu.memref_squeeze %dma_start3A_376 : memref<1x1x128x32xf32, #tpu.memory_space<vmem>> -> memref<128x32xf32, #tpu.memory_space<vmem>>
      %dma_start3A_378 = arith.constant 0 : i32
      %dma_start3A_379 = tpu.memref_slice %arg5[%add3A_371, %dma_start3A_378] : memref<200x128xi32, #tpu.memory_space<vmem>> -> memref<1x128xi32, #tpu.memory_space<vmem>>
      %dma_start3A_380 = tpu.memref_squeeze %dma_start3A_379 : memref<1x128xi32, #tpu.memory_space<vmem>> -> memref<128xi32, #tpu.memory_space<vmem>>
      %dma_start3A_381 = arith.constant 0 : i32
      %dma_start3A_382 = arith.constant 0 : i32
      %dma_start3A_383 = tpu.memref_slice %arg3[%dma_start3A_381, %dma_start3A_382] : memref<1000000x32xf32, #tpu.memory_space<hbm>> -> memref<1000000x32xf32, #tpu.memory_space<hbm>>
      tpu.enqueue_indirect_dma source(%dma_start3A_383 : memref<1000000x32xf32, #tpu.memory_space<hbm>>) target(%dma_start3A_377 : memref<128x32xf32, #tpu.memory_space<vmem>>) offsets(%dma_start3A_380 : memref<128xi32, #tpu.memory_space<vmem>>) semaphore(%arg8 : memref<!tpu.dma_semaphore, #tpu.memory_space<semaphore_mem>>)
      %mul3A_384 = arith.constant 10 : i32
      %mul3A_385 = arith.muli %add3A_335, %mul3A_384 : i32
      %add3A_386 = arith.constant 3 : i32
      %add3A_387 = arith.addi %mul3A_385, %add3A_386 : i32
      %dma_start3A_388 = arith.constant 1 : i32
      %dma_start3A_389 = arith.constant 3 : i32
      %dma_start3A_390 = arith.constant 0 : i32
      %dma_start3A_391 = arith.constant 0 : i32
      %dma_start3A_392 = tpu.memref_slice %arg6[%dma_start3A_388, %dma_start3A_389, %dma_start3A_390, %dma_start3A_391] : memref<2x10x128x32xf32, #tpu.memory_space<vmem>> -> memref<1x1x128x32xf32, #tpu.memory_space<vmem>>
      %dma_start3A_393 = tpu.memref_squeeze %dma_start3A_392 : memref<1x1x128x32xf32, #tpu.memory_space<vmem>> -> memref<128x32xf32, #tpu.memory_space<vmem>>
      %dma_start3A_394 = arith.constant 0 : i32
      %dma_start3A_395 = tpu.memref_slice %arg5[%add3A_387, %dma_start3A_394] : memref<200x128xi32, #tpu.memory_space<vmem>> -> memref<1x128xi32, #tpu.memory_space<vmem>>
      %dma_start3A_396 = tpu.memref_squeeze %dma_start3A_395 : memref<1x128xi32, #tpu.memory_space<vmem>> -> memref<128xi32, #tpu.memory_space<vmem>>
      %dma_start3A_397 = arith.constant 0 : i32
      %dma_start3A_398 = arith.constant 0 : i32
      %dma_start3A_399 = tpu.memref_slice %arg3[%dma_start3A_397, %dma_start3A_398] : memref<1000000x32xf32, #tpu.memory_space<hbm>> -> memref<1000000x32xf32, #tpu.memory_space<hbm>>
      tpu.enqueue_indirect_dma source(%dma_start3A_399 : memref<1000000x32xf32, #tpu.memory_space<hbm>>) target(%dma_start3A_393 : memref<128x32xf32, #tpu.memory_space<vmem>>) offsets(%dma_start3A_396 : memref<128xi32, #tpu.memory_space<vmem>>) semaphore(%arg8 : memref<!tpu.dma_semaphore, #tpu.memory_space<semaphore_mem>>)
      %mul3A_400 = arith.constant 10 : i32
      %mul3A_401 = arith.muli %add3A_335, %mul3A_400 : i32
      %add3A_402 = arith.constant 4 : i32
      %add3A_403 = arith.addi %mul3A_401, %add3A_402 : i32
      %dma_start3A_404 = arith.constant 1 : i32
      %dma_start3A_405 = arith.constant 4 : i32
      %dma_start3A_406 = arith.constant 0 : i32
      %dma_start3A_407 = arith.constant 0 : i32
      %dma_start3A_408 = tpu.memref_slice %arg6[%dma_start3A_404, %dma_start3A_405, %dma_start3A_406, %dma_start3A_407] : memref<2x10x128x32xf32, #tpu.memory_space<vmem>> -> memref<1x1x128x32xf32, #tpu.memory_space<vmem>>
      %dma_start3A_409 = tpu.memref_squeeze %dma_start3A_408 : memref<1x1x128x32xf32, #tpu.memory_space<vmem>> -> memref<128x32xf32, #tpu.memory_space<vmem>>
      %dma_start3A_410 = arith.constant 0 : i32
      %dma_start3A_411 = tpu.memref_slice %arg5[%add3A_403, %dma_start3A_410] : memref<200x128xi32, #tpu.memory_space<vmem>> -> memref<1x128xi32, #tpu.memory_space<vmem>>
      %dma_start3A_412 = tpu.memref_squeeze %dma_start3A_411 : memref<1x128xi32, #tpu.memory_space<vmem>> -> memref<128xi32, #tpu.memory_space<vmem>>
      %dma_start3A_413 = arith.constant 0 : i32
      %dma_start3A_414 = arith.constant 0 : i32
      %dma_start3A_415 = tpu.memref_slice %arg3[%dma_start3A_413, %dma_start3A_414] : memref<1000000x32xf32, #tpu.memory_space<hbm>> -> memref<1000000x32xf32, #tpu.memory_space<hbm>>
      tpu.enqueue_indirect_dma source(%dma_start3A_415 : memref<1000000x32xf32, #tpu.memory_space<hbm>>) target(%dma_start3A_409 : memref<128x32xf32, #tpu.memory_space<vmem>>) offsets(%dma_start3A_412 : memref<128xi32, #tpu.memory_space<vmem>>) semaphore(%arg8 : memref<!tpu.dma_semaphore, #tpu.memory_space<semaphore_mem>>)
      %mul3A_416 = arith.constant 10 : i32
      %mul3A_417 = arith.muli %add3A_335, %mul3A_416 : i32
      %add3A_418 = arith.constant 5 : i32
      %add3A_419 = arith.addi %mul3A_417, %add3A_418 : i32
      %dma_start3A_420 = arith.constant 1 : i32
      %dma_start3A_421 = arith.constant 5 : i32
      %dma_start3A_422 = arith.constant 0 : i32
      %dma_start3A_423 = arith.constant 0 : i32
      %dma_start3A_424 = tpu.memref_slice %arg6[%dma_start3A_420, %dma_start3A_421, %dma_start3A_422, %dma_start3A_423] : memref<2x10x128x32xf32, #tpu.memory_space<vmem>> -> memref<1x1x128x32xf32, #tpu.memory_space<vmem>>
      %dma_start3A_425 = tpu.memref_squeeze %dma_start3A_424 : memref<1x1x128x32xf32, #tpu.memory_space<vmem>> -> memref<128x32xf32, #tpu.memory_space<vmem>>
      %dma_start3A_426 = arith.constant 0 : i32
      %dma_start3A_427 = tpu.memref_slice %arg5[%add3A_419, %dma_start3A_426] : memref<200x128xi32, #tpu.memory_space<vmem>> -> memref<1x128xi32, #tpu.memory_space<vmem>>
      %dma_start3A_428 = tpu.memref_squeeze %dma_start3A_427 : memref<1x128xi32, #tpu.memory_space<vmem>> -> memref<128xi32, #tpu.memory_space<vmem>>
      %dma_start3A_429 = arith.constant 0 : i32
      %dma_start3A_430 = arith.constant 0 : i32
      %dma_start3A_431 = tpu.memref_slice %arg3[%dma_start3A_429, %dma_start3A_430] : memref<1000000x32xf32, #tpu.memory_space<hbm>> -> memref<1000000x32xf32, #tpu.memory_space<hbm>>
      tpu.enqueue_indirect_dma source(%dma_start3A_431 : memref<1000000x32xf32, #tpu.memory_space<hbm>>) target(%dma_start3A_425 : memref<128x32xf32, #tpu.memory_space<vmem>>) offsets(%dma_start3A_428 : memref<128xi32, #tpu.memory_space<vmem>>) semaphore(%arg8 : memref<!tpu.dma_semaphore, #tpu.memory_space<semaphore_mem>>)
      %mul3A_432 = arith.constant 10 : i32
      %mul3A_433 = arith.muli %add3A_335, %mul3A_432 : i32
      %add3A_434 = arith.constant 6 : i32
      %add3A_435 = arith.addi %mul3A_433, %add3A_434 : i32
      %dma_start3A_436 = arith.constant 1 : i32
      %dma_start3A_437 = arith.constant 6 : i32
      %dma_start3A_438 = arith.constant 0 : i32
      %dma_start3A_439 = arith.constant 0 : i32
      %dma_start3A_440 = tpu.memref_slice %arg6[%dma_start3A_436, %dma_start3A_437, %dma_start3A_438, %dma_start3A_439] : memref<2x10x128x32xf32, #tpu.memory_space<vmem>> -> memref<1x1x128x32xf32, #tpu.memory_space<vmem>>
      %dma_start3A_441 = tpu.memref_squeeze %dma_start3A_440 : memref<1x1x128x32xf32, #tpu.memory_space<vmem>> -> memref<128x32xf32, #tpu.memory_space<vmem>>
      %dma_start3A_442 = arith.constant 0 : i32
      %dma_start3A_443 = tpu.memref_slice %arg5[%add3A_435, %dma_start3A_442] : memref<200x128xi32, #tpu.memory_space<vmem>> -> memref<1x128xi32, #tpu.memory_space<vmem>>
      %dma_start3A_444 = tpu.memref_squeeze %dma_start3A_443 : memref<1x128xi32, #tpu.memory_space<vmem>> -> memref<128xi32, #tpu.memory_space<vmem>>
      %dma_start3A_445 = arith.constant 0 : i32
      %dma_start3A_446 = arith.constant 0 : i32
      %dma_start3A_447 = tpu.memref_slice %arg3[%dma_start3A_445, %dma_start3A_446] : memref<1000000x32xf32, #tpu.memory_space<hbm>> -> memref<1000000x32xf32, #tpu.memory_space<hbm>>
      tpu.enqueue_indirect_dma source(%dma_start3A_447 : memref<1000000x32xf32, #tpu.memory_space<hbm>>) target(%dma_start3A_441 : memref<128x32xf32, #tpu.memory_space<vmem>>) offsets(%dma_start3A_444 : memref<128xi32, #tpu.memory_space<vmem>>) semaphore(%arg8 : memref<!tpu.dma_semaphore, #tpu.memory_space<semaphore_mem>>)
      %mul3A_448 = arith.constant 10 : i32
      %mul3A_449 = arith.muli %add3A_335, %mul3A_448 : i32
      %add3A_450 = arith.constant 7 : i32
      %add3A_451 = arith.addi %mul3A_449, %add3A_450 : i32
      %dma_start3A_452 = arith.constant 1 : i32
      %dma_start3A_453 = arith.constant 7 : i32
      %dma_start3A_454 = arith.constant 0 : i32
      %dma_start3A_455 = arith.constant 0 : i32
      %dma_start3A_456 = tpu.memref_slice %arg6[%dma_start3A_452, %dma_start3A_453, %dma_start3A_454, %dma_start3A_455] : memref<2x10x128x32xf32, #tpu.memory_space<vmem>> -> memref<1x1x128x32xf32, #tpu.memory_space<vmem>>
      %dma_start3A_457 = tpu.memref_squeeze %dma_start3A_456 : memref<1x1x128x32xf32, #tpu.memory_space<vmem>> -> memref<128x32xf32, #tpu.memory_space<vmem>>
      %dma_start3A_458 = arith.constant 0 : i32
      %dma_start3A_459 = tpu.memref_slice %arg5[%add3A_451, %dma_start3A_458] : memref<200x128xi32, #tpu.memory_space<vmem>> -> memref<1x128xi32, #tpu.memory_space<vmem>>
      %dma_start3A_460 = tpu.memref_squeeze %dma_start3A_459 : memref<1x128xi32, #tpu.memory_space<vmem>> -> memref<128xi32, #tpu.memory_space<vmem>>
      %dma_start3A_461 = arith.constant 0 : i32
      %dma_start3A_462 = arith.constant 0 : i32
      %dma_start3A_463 = tpu.memref_slice %arg3[%dma_start3A_461, %dma_start3A_462] : memref<1000000x32xf32, #tpu.memory_space<hbm>> -> memref<1000000x32xf32, #tpu.memory_space<hbm>>
      tpu.enqueue_indirect_dma source(%dma_start3A_463 : memref<1000000x32xf32, #tpu.memory_space<hbm>>) target(%dma_start3A_457 : memref<128x32xf32, #tpu.memory_space<vmem>>) offsets(%dma_start3A_460 : memref<128xi32, #tpu.memory_space<vmem>>) semaphore(%arg8 : memref<!tpu.dma_semaphore, #tpu.memory_space<semaphore_mem>>)
      %mul3A_464 = arith.constant 10 : i32
      %mul3A_465 = arith.muli %add3A_335, %mul3A_464 : i32
      %add3A_466 = arith.constant 8 : i32
      %add3A_467 = arith.addi %mul3A_465, %add3A_466 : i32
      %dma_start3A_468 = arith.constant 1 : i32
      %dma_start3A_469 = arith.constant 8 : i32
      %dma_start3A_470 = arith.constant 0 : i32
      %dma_start3A_471 = arith.constant 0 : i32
      %dma_start3A_472 = tpu.memref_slice %arg6[%dma_start3A_468, %dma_start3A_469, %dma_start3A_470, %dma_start3A_471] : memref<2x10x128x32xf32, #tpu.memory_space<vmem>> -> memref<1x1x128x32xf32, #tpu.memory_space<vmem>>
      %dma_start3A_473 = tpu.memref_squeeze %dma_start3A_472 : memref<1x1x128x32xf32, #tpu.memory_space<vmem>> -> memref<128x32xf32, #tpu.memory_space<vmem>>
      %dma_start3A_474 = arith.constant 0 : i32
      %dma_start3A_475 = tpu.memref_slice %arg5[%add3A_467, %dma_start3A_474] : memref<200x128xi32, #tpu.memory_space<vmem>> -> memref<1x128xi32, #tpu.memory_space<vmem>>
      %dma_start3A_476 = tpu.memref_squeeze %dma_start3A_475 : memref<1x128xi32, #tpu.memory_space<vmem>> -> memref<128xi32, #tpu.memory_space<vmem>>
      %dma_start3A_477 = arith.constant 0 : i32
      %dma_start3A_478 = arith.constant 0 : i32
      %dma_start3A_479 = tpu.memref_slice %arg3[%dma_start3A_477, %dma_start3A_478] : memref<1000000x32xf32, #tpu.memory_space<hbm>> -> memref<1000000x32xf32, #tpu.memory_space<hbm>>
      tpu.enqueue_indirect_dma source(%dma_start3A_479 : memref<1000000x32xf32, #tpu.memory_space<hbm>>) target(%dma_start3A_473 : memref<128x32xf32, #tpu.memory_space<vmem>>) offsets(%dma_start3A_476 : memref<128xi32, #tpu.memory_space<vmem>>) semaphore(%arg8 : memref<!tpu.dma_semaphore, #tpu.memory_space<semaphore_mem>>)
      %mul3A_480 = arith.constant 10 : i32
      %mul3A_481 = arith.muli %add3A_335, %mul3A_480 : i32
      %add3A_482 = arith.constant 9 : i32
      %add3A_483 = arith.addi %mul3A_481, %add3A_482 : i32
      %dma_start3A_484 = arith.constant 1 : i32
      %dma_start3A_485 = arith.constant 9 : i32
      %dma_start3A_486 = arith.constant 0 : i32
      %dma_start3A_487 = arith.constant 0 : i32
      %dma_start3A_488 = tpu.memref_slice %arg6[%dma_start3A_484, %dma_start3A_485, %dma_start3A_486, %dma_start3A_487] : memref<2x10x128x32xf32, #tpu.memory_space<vmem>> -> memref<1x1x128x32xf32, #tpu.memory_space<vmem>>
      %dma_start3A_489 = tpu.memref_squeeze %dma_start3A_488 : memref<1x1x128x32xf32, #tpu.memory_space<vmem>> -> memref<128x32xf32, #tpu.memory_space<vmem>>
      %dma_start3A_490 = arith.constant 0 : i32
      %dma_start3A_491 = tpu.memref_slice %arg5[%add3A_483, %dma_start3A_490] : memref<200x128xi32, #tpu.memory_space<vmem>> -> memref<1x128xi32, #tpu.memory_space<vmem>>
      %dma_start3A_492 = tpu.memref_squeeze %dma_start3A_491 : memref<1x128xi32, #tpu.memory_space<vmem>> -> memref<128xi32, #tpu.memory_space<vmem>>
      %dma_start3A_493 = arith.constant 0 : i32
      %dma_start3A_494 = arith.constant 0 : i32
      %dma_start3A_495 = tpu.memref_slice %arg3[%dma_start3A_493, %dma_start3A_494] : memref<1000000x32xf32, #tpu.memory_space<hbm>> -> memref<1000000x32xf32, #tpu.memory_space<hbm>>
      tpu.enqueue_indirect_dma source(%dma_start3A_495 : memref<1000000x32xf32, #tpu.memory_space<hbm>>) target(%dma_start3A_489 : memref<128x32xf32, #tpu.memory_space<vmem>>) offsets(%dma_start3A_492 : memref<128xi32, #tpu.memory_space<vmem>>) semaphore(%arg8 : memref<!tpu.dma_semaphore, #tpu.memory_space<semaphore_mem>>)
      %mul3A_496 = arith.constant 2 : i32
      %mul3A_497 = arith.muli %mul3A_496, %scan3A_176 : i32
      %add3A_498 = arith.constant 1 : i32
      %add3A_499 = arith.addi %mul3A_497, %add3A_498 : i32
      %dma_wait3A_500 = arith.constant 0 : i32
      %dma_wait3A_501 = arith.constant 1 : i32
      %dma_wait3A_502 = arith.constant 0 : i32
      %dma_wait3A_503 = arith.constant 0 : i32
      %dma_wait3A_504 = arith.constant 0 : i32
      %dma_wait3A_505 = tpu.memref_slice %arg6[%dma_wait3A_501, %dma_wait3A_502, %dma_wait3A_503, %dma_wait3A_504] : memref<2x10x128x32xf32, #tpu.memory_space<vmem>> -> memref<1x1x128x32xf32, #tpu.memory_space<vmem>>
      %dma_wait3A_506 = tpu.memref_squeeze %dma_wait3A_505 : memref<1x1x128x32xf32, #tpu.memory_space<vmem>> -> memref<128x32xf32, #tpu.memory_space<vmem>>
      %dma_wait3A_507 = arith.constant 0 : i32
      %dma_wait3A_508 = tpu.memref_slice %arg5[%dma_wait3A_500, %dma_wait3A_507] : memref<200x128xi32, #tpu.memory_space<vmem>> -> memref<1x128xi32, #tpu.memory_space<vmem>>
      %dma_wait3A_509 = tpu.memref_squeeze %dma_wait3A_508 : memref<1x128xi32, #tpu.memory_space<vmem>> -> memref<128xi32, #tpu.memory_space<vmem>>
      %dma_wait3A_510 = arith.constant 0 : i32
      %dma_wait3A_511 = arith.constant 0 : i32
      %dma_wait3A_512 = tpu.memref_slice %arg3[%dma_wait3A_510, %dma_wait3A_511] : memref<1000000x32xf32, #tpu.memory_space<hbm>> -> memref<1000000x32xf32, #tpu.memory_space<hbm>>
      tpu.wait_indirect_dma semaphore(%arg8 : memref<!tpu.dma_semaphore, #tpu.memory_space<semaphore_mem>>) src(%dma_wait3A_512 : memref<1000000x32xf32, #tpu.memory_space<hbm>>) dst(%dma_wait3A_506 : memref<128x32xf32, #tpu.memory_space<vmem>>)
      %dma_wait3A_513 = arith.constant 1 : i32
      %dma_wait3A_514 = arith.constant 1 : i32
      %dma_wait3A_515 = arith.constant 1 : i32
      %dma_wait3A_516 = arith.constant 0 : i32
      %dma_wait3A_517 = arith.constant 0 : i32
      %dma_wait3A_518 = tpu.memref_slice %arg6[%dma_wait3A_514, %dma_wait3A_515, %dma_wait3A_516, %dma_wait3A_517] : memref<2x10x128x32xf32, #tpu.memory_space<vmem>> -> memref<1x1x128x32xf32, #tpu.memory_space<vmem>>
      %dma_wait3A_519 = tpu.memref_squeeze %dma_wait3A_518 : memref<1x1x128x32xf32, #tpu.memory_space<vmem>> -> memref<128x32xf32, #tpu.memory_space<vmem>>
      %dma_wait3A_520 = arith.constant 0 : i32
      %dma_wait3A_521 = tpu.memref_slice %arg5[%dma_wait3A_513, %dma_wait3A_520] : memref<200x128xi32, #tpu.memory_space<vmem>> -> memref<1x128xi32, #tpu.memory_space<vmem>>
      %dma_wait3A_522 = tpu.memref_squeeze %dma_wait3A_521 : memref<1x128xi32, #tpu.memory_space<vmem>> -> memref<128xi32, #tpu.memory_space<vmem>>
      %dma_wait3A_523 = arith.constant 0 : i32
      %dma_wait3A_524 = arith.constant 0 : i32
      %dma_wait3A_525 = tpu.memref_slice %arg3[%dma_wait3A_523, %dma_wait3A_524] : memref<1000000x32xf32, #tpu.memory_space<hbm>> -> memref<1000000x32xf32, #tpu.memory_space<hbm>>
      tpu.wait_indirect_dma semaphore(%arg8 : memref<!tpu.dma_semaphore, #tpu.memory_space<semaphore_mem>>) src(%dma_wait3A_525 : memref<1000000x32xf32, #tpu.memory_space<hbm>>) dst(%dma_wait3A_519 : memref<128x32xf32, #tpu.memory_space<vmem>>)
      %dma_wait3A_526 = arith.constant 2 : i32
      %dma_wait3A_527 = arith.constant 1 : i32
      %dma_wait3A_528 = arith.constant 2 : i32
      %dma_wait3A_529 = arith.constant 0 : i32
      %dma_wait3A_530 = arith.constant 0 : i32
      %dma_wait3A_531 = tpu.memref_slice %arg6[%dma_wait3A_527, %dma_wait3A_528, %dma_wait3A_529, %dma_wait3A_530] : memref<2x10x128x32xf32, #tpu.memory_space<vmem>> -> memref<1x1x128x32xf32, #tpu.memory_space<vmem>>
      %dma_wait3A_532 = tpu.memref_squeeze %dma_wait3A_531 : memref<1x1x128x32xf32, #tpu.memory_space<vmem>> -> memref<128x32xf32, #tpu.memory_space<vmem>>
      %dma_wait3A_533 = arith.constant 0 : i32
      %dma_wait3A_534 = tpu.memref_slice %arg5[%dma_wait3A_526, %dma_wait3A_533] : memref<200x128xi32, #tpu.memory_space<vmem>> -> memref<1x128xi32, #tpu.memory_space<vmem>>
      %dma_wait3A_535 = tpu.memref_squeeze %dma_wait3A_534 : memref<1x128xi32, #tpu.memory_space<vmem>> -> memref<128xi32, #tpu.memory_space<vmem>>
      %dma_wait3A_536 = arith.constant 0 : i32
      %dma_wait3A_537 = arith.constant 0 : i32
      %dma_wait3A_538 = tpu.memref_slice %arg3[%dma_wait3A_536, %dma_wait3A_537] : memref<1000000x32xf32, #tpu.memory_space<hbm>> -> memref<1000000x32xf32, #tpu.memory_space<hbm>>
      tpu.wait_indirect_dma semaphore(%arg8 : memref<!tpu.dma_semaphore, #tpu.memory_space<semaphore_mem>>) src(%dma_wait3A_538 : memref<1000000x32xf32, #tpu.memory_space<hbm>>) dst(%dma_wait3A_532 : memref<128x32xf32, #tpu.memory_space<vmem>>)
      %dma_wait3A_539 = arith.constant 3 : i32
      %dma_wait3A_540 = arith.constant 1 : i32
      %dma_wait3A_541 = arith.constant 3 : i32
      %dma_wait3A_542 = arith.constant 0 : i32
      %dma_wait3A_543 = arith.constant 0 : i32
      %dma_wait3A_544 = tpu.memref_slice %arg6[%dma_wait3A_540, %dma_wait3A_541, %dma_wait3A_542, %dma_wait3A_543] : memref<2x10x128x32xf32, #tpu.memory_space<vmem>> -> memref<1x1x128x32xf32, #tpu.memory_space<vmem>>
      %dma_wait3A_545 = tpu.memref_squeeze %dma_wait3A_544 : memref<1x1x128x32xf32, #tpu.memory_space<vmem>> -> memref<128x32xf32, #tpu.memory_space<vmem>>
      %dma_wait3A_546 = arith.constant 0 : i32
      %dma_wait3A_547 = tpu.memref_slice %arg5[%dma_wait3A_539, %dma_wait3A_546] : memref<200x128xi32, #tpu.memory_space<vmem>> -> memref<1x128xi32, #tpu.memory_space<vmem>>
      %dma_wait3A_548 = tpu.memref_squeeze %dma_wait3A_547 : memref<1x128xi32, #tpu.memory_space<vmem>> -> memref<128xi32, #tpu.memory_space<vmem>>
      %dma_wait3A_549 = arith.constant 0 : i32
      %dma_wait3A_550 = arith.constant 0 : i32
      %dma_wait3A_551 = tpu.memref_slice %arg3[%dma_wait3A_549, %dma_wait3A_550] : memref<1000000x32xf32, #tpu.memory_space<hbm>> -> memref<1000000x32xf32, #tpu.memory_space<hbm>>
      tpu.wait_indirect_dma semaphore(%arg8 : memref<!tpu.dma_semaphore, #tpu.memory_space<semaphore_mem>>) src(%dma_wait3A_551 : memref<1000000x32xf32, #tpu.memory_space<hbm>>) dst(%dma_wait3A_545 : memref<128x32xf32, #tpu.memory_space<vmem>>)
      %dma_wait3A_552 = arith.constant 4 : i32
      %dma_wait3A_553 = arith.constant 1 : i32
      %dma_wait3A_554 = arith.constant 4 : i32
      %dma_wait3A_555 = arith.constant 0 : i32
      %dma_wait3A_556 = arith.constant 0 : i32
      %dma_wait3A_557 = tpu.memref_slice %arg6[%dma_wait3A_553, %dma_wait3A_554, %dma_wait3A_555, %dma_wait3A_556] : memref<2x10x128x32xf32, #tpu.memory_space<vmem>> -> memref<1x1x128x32xf32, #tpu.memory_space<vmem>>
      %dma_wait3A_558 = tpu.memref_squeeze %dma_wait3A_557 : memref<1x1x128x32xf32, #tpu.memory_space<vmem>> -> memref<128x32xf32, #tpu.memory_space<vmem>>
      %dma_wait3A_559 = arith.constant 0 : i32
      %dma_wait3A_560 = tpu.memref_slice %arg5[%dma_wait3A_552, %dma_wait3A_559] : memref<200x128xi32, #tpu.memory_space<vmem>> -> memref<1x128xi32, #tpu.memory_space<vmem>>
      %dma_wait3A_561 = tpu.memref_squeeze %dma_wait3A_560 : memref<1x128xi32, #tpu.memory_space<vmem>> -> memref<128xi32, #tpu.memory_space<vmem>>
      %dma_wait3A_562 = arith.constant 0 : i32
      %dma_wait3A_563 = arith.constant 0 : i32
      %dma_wait3A_564 = tpu.memref_slice %arg3[%dma_wait3A_562, %dma_wait3A_563] : memref<1000000x32xf32, #tpu.memory_space<hbm>> -> memref<1000000x32xf32, #tpu.memory_space<hbm>>
      tpu.wait_indirect_dma semaphore(%arg8 : memref<!tpu.dma_semaphore, #tpu.memory_space<semaphore_mem>>) src(%dma_wait3A_564 : memref<1000000x32xf32, #tpu.memory_space<hbm>>) dst(%dma_wait3A_558 : memref<128x32xf32, #tpu.memory_space<vmem>>)
      %dma_wait3A_565 = arith.constant 5 : i32
      %dma_wait3A_566 = arith.constant 1 : i32
      %dma_wait3A_567 = arith.constant 5 : i32
      %dma_wait3A_568 = arith.constant 0 : i32
      %dma_wait3A_569 = arith.constant 0 : i32
      %dma_wait3A_570 = tpu.memref_slice %arg6[%dma_wait3A_566, %dma_wait3A_567, %dma_wait3A_568, %dma_wait3A_569] : memref<2x10x128x32xf32, #tpu.memory_space<vmem>> -> memref<1x1x128x32xf32, #tpu.memory_space<vmem>>
      %dma_wait3A_571 = tpu.memref_squeeze %dma_wait3A_570 : memref<1x1x128x32xf32, #tpu.memory_space<vmem>> -> memref<128x32xf32, #tpu.memory_space<vmem>>
      %dma_wait3A_572 = arith.constant 0 : i32
      %dma_wait3A_573 = tpu.memref_slice %arg5[%dma_wait3A_565, %dma_wait3A_572] : memref<200x128xi32, #tpu.memory_space<vmem>> -> memref<1x128xi32, #tpu.memory_space<vmem>>
      %dma_wait3A_574 = tpu.memref_squeeze %dma_wait3A_573 : memref<1x128xi32, #tpu.memory_space<vmem>> -> memref<128xi32, #tpu.memory_space<vmem>>
      %dma_wait3A_575 = arith.constant 0 : i32
      %dma_wait3A_576 = arith.constant 0 : i32
      %dma_wait3A_577 = tpu.memref_slice %arg3[%dma_wait3A_575, %dma_wait3A_576] : memref<1000000x32xf32, #tpu.memory_space<hbm>> -> memref<1000000x32xf32, #tpu.memory_space<hbm>>
      tpu.wait_indirect_dma semaphore(%arg8 : memref<!tpu.dma_semaphore, #tpu.memory_space<semaphore_mem>>) src(%dma_wait3A_577 : memref<1000000x32xf32, #tpu.memory_space<hbm>>) dst(%dma_wait3A_571 : memref<128x32xf32, #tpu.memory_space<vmem>>)
      %dma_wait3A_578 = arith.constant 6 : i32
      %dma_wait3A_579 = arith.constant 1 : i32
      %dma_wait3A_580 = arith.constant 6 : i32
      %dma_wait3A_581 = arith.constant 0 : i32
      %dma_wait3A_582 = arith.constant 0 : i32
      %dma_wait3A_583 = tpu.memref_slice %arg6[%dma_wait3A_579, %dma_wait3A_580, %dma_wait3A_581, %dma_wait3A_582] : memref<2x10x128x32xf32, #tpu.memory_space<vmem>> -> memref<1x1x128x32xf32, #tpu.memory_space<vmem>>
      %dma_wait3A_584 = tpu.memref_squeeze %dma_wait3A_583 : memref<1x1x128x32xf32, #tpu.memory_space<vmem>> -> memref<128x32xf32, #tpu.memory_space<vmem>>
      %dma_wait3A_585 = arith.constant 0 : i32
      %dma_wait3A_586 = tpu.memref_slice %arg5[%dma_wait3A_578, %dma_wait3A_585] : memref<200x128xi32, #tpu.memory_space<vmem>> -> memref<1x128xi32, #tpu.memory_space<vmem>>
      %dma_wait3A_587 = tpu.memref_squeeze %dma_wait3A_586 : memref<1x128xi32, #tpu.memory_space<vmem>> -> memref<128xi32, #tpu.memory_space<vmem>>
      %dma_wait3A_588 = arith.constant 0 : i32
      %dma_wait3A_589 = arith.constant 0 : i32
      %dma_wait3A_590 = tpu.memref_slice %arg3[%dma_wait3A_588, %dma_wait3A_589] : memref<1000000x32xf32, #tpu.memory_space<hbm>> -> memref<1000000x32xf32, #tpu.memory_space<hbm>>
      tpu.wait_indirect_dma semaphore(%arg8 : memref<!tpu.dma_semaphore, #tpu.memory_space<semaphore_mem>>) src(%dma_wait3A_590 : memref<1000000x32xf32, #tpu.memory_space<hbm>>) dst(%dma_wait3A_584 : memref<128x32xf32, #tpu.memory_space<vmem>>)
      %dma_wait3A_591 = arith.constant 7 : i32
      %dma_wait3A_592 = arith.constant 1 : i32
      %dma_wait3A_593 = arith.constant 7 : i32
      %dma_wait3A_594 = arith.constant 0 : i32
      %dma_wait3A_595 = arith.constant 0 : i32
      %dma_wait3A_596 = tpu.memref_slice %arg6[%dma_wait3A_592, %dma_wait3A_593, %dma_wait3A_594, %dma_wait3A_595] : memref<2x10x128x32xf32, #tpu.memory_space<vmem>> -> memref<1x1x128x32xf32, #tpu.memory_space<vmem>>
      %dma_wait3A_597 = tpu.memref_squeeze %dma_wait3A_596 : memref<1x1x128x32xf32, #tpu.memory_space<vmem>> -> memref<128x32xf32, #tpu.memory_space<vmem>>
      %dma_wait3A_598 = arith.constant 0 : i32
      %dma_wait3A_599 = tpu.memref_slice %arg5[%dma_wait3A_591, %dma_wait3A_598] : memref<200x128xi32, #tpu.memory_space<vmem>> -> memref<1x128xi32, #tpu.memory_space<vmem>>
      %dma_wait3A_600 = tpu.memref_squeeze %dma_wait3A_599 : memref<1x128xi32, #tpu.memory_space<vmem>> -> memref<128xi32, #tpu.memory_space<vmem>>
      %dma_wait3A_601 = arith.constant 0 : i32
      %dma_wait3A_602 = arith.constant 0 : i32
      %dma_wait3A_603 = tpu.memref_slice %arg3[%dma_wait3A_601, %dma_wait3A_602] : memref<1000000x32xf32, #tpu.memory_space<hbm>> -> memref<1000000x32xf32, #tpu.memory_space<hbm>>
      tpu.wait_indirect_dma semaphore(%arg8 : memref<!tpu.dma_semaphore, #tpu.memory_space<semaphore_mem>>) src(%dma_wait3A_603 : memref<1000000x32xf32, #tpu.memory_space<hbm>>) dst(%dma_wait3A_597 : memref<128x32xf32, #tpu.memory_space<vmem>>)
      %dma_wait3A_604 = arith.constant 8 : i32
      %dma_wait3A_605 = arith.constant 1 : i32
      %dma_wait3A_606 = arith.constant 8 : i32
      %dma_wait3A_607 = arith.constant 0 : i32
      %dma_wait3A_608 = arith.constant 0 : i32
      %dma_wait3A_609 = tpu.memref_slice %arg6[%dma_wait3A_605, %dma_wait3A_606, %dma_wait3A_607, %dma_wait3A_608] : memref<2x10x128x32xf32, #tpu.memory_space<vmem>> -> memref<1x1x128x32xf32, #tpu.memory_space<vmem>>
      %dma_wait3A_610 = tpu.memref_squeeze %dma_wait3A_609 : memref<1x1x128x32xf32, #tpu.memory_space<vmem>> -> memref<128x32xf32, #tpu.memory_space<vmem>>
      %dma_wait3A_611 = arith.constant 0 : i32
      %dma_wait3A_612 = tpu.memref_slice %arg5[%dma_wait3A_604, %dma_wait3A_611] : memref<200x128xi32, #tpu.memory_space<vmem>> -> memref<1x128xi32, #tpu.memory_space<vmem>>
      %dma_wait3A_613 = tpu.memref_squeeze %dma_wait3A_612 : memref<1x128xi32, #tpu.memory_space<vmem>> -> memref<128xi32, #tpu.memory_space<vmem>>
      %dma_wait3A_614 = arith.constant 0 : i32
      %dma_wait3A_615 = arith.constant 0 : i32
      %dma_wait3A_616 = tpu.memref_slice %arg3[%dma_wait3A_614, %dma_wait3A_615] : memref<1000000x32xf32, #tpu.memory_space<hbm>> -> memref<1000000x32xf32, #tpu.memory_space<hbm>>
      tpu.wait_indirect_dma semaphore(%arg8 : memref<!tpu.dma_semaphore, #tpu.memory_space<semaphore_mem>>) src(%dma_wait3A_616 : memref<1000000x32xf32, #tpu.memory_space<hbm>>) dst(%dma_wait3A_610 : memref<128x32xf32, #tpu.memory_space<vmem>>)
      %dma_wait3A_617 = arith.constant 9 : i32
      %dma_wait3A_618 = arith.constant 1 : i32
      %dma_wait3A_619 = arith.constant 9 : i32
      %dma_wait3A_620 = arith.constant 0 : i32
      %dma_wait3A_621 = arith.constant 0 : i32
      %dma_wait3A_622 = tpu.memref_slice %arg6[%dma_wait3A_618, %dma_wait3A_619, %dma_wait3A_620, %dma_wait3A_621] : memref<2x10x128x32xf32, #tpu.memory_space<vmem>> -> memref<1x1x128x32xf32, #tpu.memory_space<vmem>>
      %dma_wait3A_623 = tpu.memref_squeeze %dma_wait3A_622 : memref<1x1x128x32xf32, #tpu.memory_space<vmem>> -> memref<128x32xf32, #tpu.memory_space<vmem>>
      %dma_wait3A_624 = arith.constant 0 : i32
      %dma_wait3A_625 = tpu.memref_slice %arg5[%dma_wait3A_617, %dma_wait3A_624] : memref<200x128xi32, #tpu.memory_space<vmem>> -> memref<1x128xi32, #tpu.memory_space<vmem>>
      %dma_wait3A_626 = tpu.memref_squeeze %dma_wait3A_625 : memref<1x128xi32, #tpu.memory_space<vmem>> -> memref<128xi32, #tpu.memory_space<vmem>>
      %dma_wait3A_627 = arith.constant 0 : i32
      %dma_wait3A_628 = arith.constant 0 : i32
      %dma_wait3A_629 = tpu.memref_slice %arg3[%dma_wait3A_627, %dma_wait3A_628] : memref<1000000x32xf32, #tpu.memory_space<hbm>> -> memref<1000000x32xf32, #tpu.memory_space<hbm>>
      tpu.wait_indirect_dma semaphore(%arg8 : memref<!tpu.dma_semaphore, #tpu.memory_space<semaphore_mem>>) src(%dma_wait3A_629 : memref<1000000x32xf32, #tpu.memory_space<hbm>>) dst(%dma_wait3A_623 : memref<128x32xf32, #tpu.memory_space<vmem>>)
      %mul3A_630 = arith.constant 10 : i32
      %mul3A_631 = arith.muli %add3A_499, %mul3A_630 : i32
      %dma_start3A_632 = arith.constant 1 : i32
      %dma_start3A_633 = arith.constant 0 : i32
      %dma_start3A_634 = arith.constant 0 : i32
      %dma_start3A_635 = arith.constant 0 : i32
      %dma_start3A_636 = tpu.memref_slice %arg6[%dma_start3A_632, %dma_start3A_633, %dma_start3A_634, %dma_start3A_635] : memref<2x10x128x32xf32, #tpu.memory_space<vmem>> -> memref<1x10x128x32xf32, #tpu.memory_space<vmem>>
      %dma_start3A_637 = tpu.memref_squeeze %dma_start3A_636 : memref<1x10x128x32xf32, #tpu.memory_space<vmem>> -> memref<10x128x32xf32, #tpu.memory_space<vmem>>
      %dma_start3A_638 = arith.constant 0 : i32
      %dma_start3A_639 = arith.constant 0 : i32
      %dma_start3A_640 = tpu.memref_slice %arg4[%add3A, %mul3A_631, %dma_start3A_638, %dma_start3A_639] : memref<32x200x128x32xf32, #tpu.memory_space<hbm>> -> memref<1x10x128x32xf32, #tpu.memory_space<hbm>>
      %dma_start3A_641 = tpu.memref_squeeze %dma_start3A_640 : memref<1x10x128x32xf32, #tpu.memory_space<hbm>> -> memref<10x128x32xf32, #tpu.memory_space<hbm>>
      %dma_start3A_642 = arith.constant 0 : i32
      %dma_start3A_643 = arith.constant 0 : i32
      %dma_start3A_644 = tpu.memref_slice %arg4[%add3A, %mul3A_631, %dma_start3A_642, %dma_start3A_643] : memref<32x200x128x32xf32, #tpu.memory_space<hbm>> -> memref<1x10x128x32xf32, #tpu.memory_space<hbm>>
      %dma_start3A_645 = tpu.memref_squeeze %dma_start3A_644 : memref<1x10x128x32xf32, #tpu.memory_space<hbm>> -> memref<10x128x32xf32, #tpu.memory_space<hbm>>
      %dma_start3A_646 = arith.constant 0 : i32
      %dma_start3A_647 = arith.constant 0 : i32
      %dma_start3A_648 = arith.constant 0 : i32
      %dma_start3A_649 = tpu.memref_slice %arg6[%dma_start3A_632, %dma_start3A_646, %dma_start3A_647, %dma_start3A_648] : memref<2x10x128x32xf32, #tpu.memory_space<vmem>> -> memref<1x10x128x32xf32, #tpu.memory_space<vmem>>
      %dma_start3A_650 = tpu.memref_squeeze %dma_start3A_649 : memref<1x10x128x32xf32, #tpu.memory_space<vmem>> -> memref<10x128x32xf32, #tpu.memory_space<vmem>>
      tpu.enqueue_dma source(%dma_start3A_650 : memref<10x128x32xf32, #tpu.memory_space<vmem>>) target(%dma_start3A_645 : memref<10x128x32xf32, #tpu.memory_space<hbm>>) target_semaphore(%arg10 : memref<!tpu.dma_semaphore, #tpu.memory_space<semaphore_mem>>)
      %lt3A = arith.constant 9 : i32
      %lt3A_651 = arith.cmpi slt, %scan3A_176, %lt3A : i32
      %convert_element_type3A_652 = arith.extui %lt3A_651 : i1 to i32
      %cond3A_653 = arith.constant 0 : i32
      %cond3A_654 = arith.cmpi ne, %convert_element_type3A_652, %cond3A_653 : i32
      scf.if %cond3A_654 {
        %dma_wait3A_655 = arith.constant 0 : i32
        %dma_wait3A_656 = arith.constant 0 : i32
        %dma_wait3A_657 = arith.constant 0 : i32
        %dma_wait3A_658 = arith.constant 0 : i32
        %dma_wait3A_659 = tpu.memref_slice %arg6[%dma_wait3A_655, %dma_wait3A_656, %dma_wait3A_657, %dma_wait3A_658] : memref<2x10x128x32xf32, #tpu.memory_space<vmem>> -> memref<1x10x128x32xf32, #tpu.memory_space<vmem>>
        %dma_wait3A_660 = tpu.memref_squeeze %dma_wait3A_659 : memref<1x10x128x32xf32, #tpu.memory_space<vmem>> -> memref<10x128x32xf32, #tpu.memory_space<vmem>>
        %dma_wait3A_661 = arith.constant 0 : i32
        %dma_wait3A_662 = arith.constant 0 : i32
        %dma_wait3A_663 = arith.constant 0 : i32
        %dma_wait3A_664 = tpu.memref_slice %arg4[%add3A, %dma_wait3A_661, %dma_wait3A_662, %dma_wait3A_663] : memref<32x200x128x32xf32, #tpu.memory_space<hbm>> -> memref<1x10x128x32xf32, #tpu.memory_space<hbm>>
        %dma_wait3A_665 = tpu.memref_squeeze %dma_wait3A_664 : memref<1x10x128x32xf32, #tpu.memory_space<hbm>> -> memref<10x128x32xf32, #tpu.memory_space<hbm>>
        %dma_wait3A_666 = arith.constant 0 : i32
        %dma_wait3A_667 = arith.constant 0 : i32
        %dma_wait3A_668 = arith.constant 0 : i32
        %dma_wait3A_669 = tpu.memref_slice %arg4[%add3A, %dma_wait3A_666, %dma_wait3A_667, %dma_wait3A_668] : memref<32x200x128x32xf32, #tpu.memory_space<hbm>> -> memref<1x10x128x32xf32, #tpu.memory_space<hbm>>
        %dma_wait3A_670 = tpu.memref_squeeze %dma_wait3A_669 : memref<1x10x128x32xf32, #tpu.memory_space<hbm>> -> memref<10x128x32xf32, #tpu.memory_space<hbm>>
        %dma_wait3A_671 = arith.constant 0 : i32
        %dma_wait3A_672 = arith.constant 0 : i32
        %dma_wait3A_673 = arith.constant 0 : i32
        %dma_wait3A_674 = tpu.memref_slice %arg6[%dma_wait3A_655, %dma_wait3A_671, %dma_wait3A_672, %dma_wait3A_673] : memref<2x10x128x32xf32, #tpu.memory_space<vmem>> -> memref<1x10x128x32xf32, #tpu.memory_space<vmem>>
        %dma_wait3A_675 = tpu.memref_squeeze %dma_wait3A_674 : memref<1x10x128x32xf32, #tpu.memory_space<vmem>> -> memref<10x128x32xf32, #tpu.memory_space<vmem>>
        tpu.wait_dma2 semaphore(%arg9 : memref<!tpu.dma_semaphore, #tpu.memory_space<semaphore_mem>>) src(%dma_wait3A_675 : memref<10x128x32xf32, #tpu.memory_space<vmem>>) dst(%dma_wait3A_670 : memref<10x128x32xf32, #tpu.memory_space<hbm>>)
        %add3A_676 = arith.constant 1 : i32
        %add3A_677 = arith.addi %add3A_499, %add3A_676 : i32
        %mul3A_678 = arith.constant 10 : i32
        %mul3A_679 = arith.muli %add3A_677, %mul3A_678 : i32
        %add3A_680 = arith.constant 0 : i32
        %add3A_681 = arith.addi %mul3A_679, %add3A_680 : i32
        %dma_start3A_682 = arith.constant 0 : i32
        %dma_start3A_683 = arith.constant 0 : i32
        %dma_start3A_684 = arith.constant 0 : i32
        %dma_start3A_685 = arith.constant 0 : i32
        %dma_start3A_686 = tpu.memref_slice %arg6[%dma_start3A_682, %dma_start3A_683, %dma_start3A_684, %dma_start3A_685] : memref<2x10x128x32xf32, #tpu.memory_space<vmem>> -> memref<1x1x128x32xf32, #tpu.memory_space<vmem>>
        %dma_start3A_687 = tpu.memref_squeeze %dma_start3A_686 : memref<1x1x128x32xf32, #tpu.memory_space<vmem>> -> memref<128x32xf32, #tpu.memory_space<vmem>>
        %dma_start3A_688 = arith.constant 0 : i32
        %dma_start3A_689 = tpu.memref_slice %arg5[%add3A_681, %dma_start3A_688] : memref<200x128xi32, #tpu.memory_space<vmem>> -> memref<1x128xi32, #tpu.memory_space<vmem>>
        %dma_start3A_690 = tpu.memref_squeeze %dma_start3A_689 : memref<1x128xi32, #tpu.memory_space<vmem>> -> memref<128xi32, #tpu.memory_space<vmem>>
        %dma_start3A_691 = arith.constant 0 : i32
        %dma_start3A_692 = arith.constant 0 : i32
        %dma_start3A_693 = tpu.memref_slice %arg3[%dma_start3A_691, %dma_start3A_692] : memref<1000000x32xf32, #tpu.memory_space<hbm>> -> memref<1000000x32xf32, #tpu.memory_space<hbm>>
        tpu.enqueue_indirect_dma source(%dma_start3A_693 : memref<1000000x32xf32, #tpu.memory_space<hbm>>) target(%dma_start3A_687 : memref<128x32xf32, #tpu.memory_space<vmem>>) offsets(%dma_start3A_690 : memref<128xi32, #tpu.memory_space<vmem>>) semaphore(%arg7 : memref<!tpu.dma_semaphore, #tpu.memory_space<semaphore_mem>>)
        %mul3A_694 = arith.constant 10 : i32
        %mul3A_695 = arith.muli %add3A_677, %mul3A_694 : i32
        %add3A_696 = arith.constant 1 : i32
        %add3A_697 = arith.addi %mul3A_695, %add3A_696 : i32
        %dma_start3A_698 = arith.constant 0 : i32
        %dma_start3A_699 = arith.constant 1 : i32
        %dma_start3A_700 = arith.constant 0 : i32
        %dma_start3A_701 = arith.constant 0 : i32
        %dma_start3A_702 = tpu.memref_slice %arg6[%dma_start3A_698, %dma_start3A_699, %dma_start3A_700, %dma_start3A_701] : memref<2x10x128x32xf32, #tpu.memory_space<vmem>> -> memref<1x1x128x32xf32, #tpu.memory_space<vmem>>
        %dma_start3A_703 = tpu.memref_squeeze %dma_start3A_702 : memref<1x1x128x32xf32, #tpu.memory_space<vmem>> -> memref<128x32xf32, #tpu.memory_space<vmem>>
        %dma_start3A_704 = arith.constant 0 : i32
        %dma_start3A_705 = tpu.memref_slice %arg5[%add3A_697, %dma_start3A_704] : memref<200x128xi32, #tpu.memory_space<vmem>> -> memref<1x128xi32, #tpu.memory_space<vmem>>
        %dma_start3A_706 = tpu.memref_squeeze %dma_start3A_705 : memref<1x128xi32, #tpu.memory_space<vmem>> -> memref<128xi32, #tpu.memory_space<vmem>>
        %dma_start3A_707 = arith.constant 0 : i32
        %dma_start3A_708 = arith.constant 0 : i32
        %dma_start3A_709 = tpu.memref_slice %arg3[%dma_start3A_707, %dma_start3A_708] : memref<1000000x32xf32, #tpu.memory_space<hbm>> -> memref<1000000x32xf32, #tpu.memory_space<hbm>>
        tpu.enqueue_indirect_dma source(%dma_start3A_709 : memref<1000000x32xf32, #tpu.memory_space<hbm>>) target(%dma_start3A_703 : memref<128x32xf32, #tpu.memory_space<vmem>>) offsets(%dma_start3A_706 : memref<128xi32, #tpu.memory_space<vmem>>) semaphore(%arg7 : memref<!tpu.dma_semaphore, #tpu.memory_space<semaphore_mem>>)
        %mul3A_710 = arith.constant 10 : i32
        %mul3A_711 = arith.muli %add3A_677, %mul3A_710 : i32
        %add3A_712 = arith.constant 2 : i32
        %add3A_713 = arith.addi %mul3A_711, %add3A_712 : i32
        %dma_start3A_714 = arith.constant 0 : i32
        %dma_start3A_715 = arith.constant 2 : i32
        %dma_start3A_716 = arith.constant 0 : i32
        %dma_start3A_717 = arith.constant 0 : i32
        %dma_start3A_718 = tpu.memref_slice %arg6[%dma_start3A_714, %dma_start3A_715, %dma_start3A_716, %dma_start3A_717] : memref<2x10x128x32xf32, #tpu.memory_space<vmem>> -> memref<1x1x128x32xf32, #tpu.memory_space<vmem>>
        %dma_start3A_719 = tpu.memref_squeeze %dma_start3A_718 : memref<1x1x128x32xf32, #tpu.memory_space<vmem>> -> memref<128x32xf32, #tpu.memory_space<vmem>>
        %dma_start3A_720 = arith.constant 0 : i32
        %dma_start3A_721 = tpu.memref_slice %arg5[%add3A_713, %dma_start3A_720] : memref<200x128xi32, #tpu.memory_space<vmem>> -> memref<1x128xi32, #tpu.memory_space<vmem>>
        %dma_start3A_722 = tpu.memref_squeeze %dma_start3A_721 : memref<1x128xi32, #tpu.memory_space<vmem>> -> memref<128xi32, #tpu.memory_space<vmem>>
        %dma_start3A_723 = arith.constant 0 : i32
        %dma_start3A_724 = arith.constant 0 : i32
        %dma_start3A_725 = tpu.memref_slice %arg3[%dma_start3A_723, %dma_start3A_724] : memref<1000000x32xf32, #tpu.memory_space<hbm>> -> memref<1000000x32xf32, #tpu.memory_space<hbm>>
        tpu.enqueue_indirect_dma source(%dma_start3A_725 : memref<1000000x32xf32, #tpu.memory_space<hbm>>) target(%dma_start3A_719 : memref<128x32xf32, #tpu.memory_space<vmem>>) offsets(%dma_start3A_722 : memref<128xi32, #tpu.memory_space<vmem>>) semaphore(%arg7 : memref<!tpu.dma_semaphore, #tpu.memory_space<semaphore_mem>>)
        %mul3A_726 = arith.constant 10 : i32
        %mul3A_727 = arith.muli %add3A_677, %mul3A_726 : i32
        %add3A_728 = arith.constant 3 : i32
        %add3A_729 = arith.addi %mul3A_727, %add3A_728 : i32
        %dma_start3A_730 = arith.constant 0 : i32
        %dma_start3A_731 = arith.constant 3 : i32
        %dma_start3A_732 = arith.constant 0 : i32
        %dma_start3A_733 = arith.constant 0 : i32
        %dma_start3A_734 = tpu.memref_slice %arg6[%dma_start3A_730, %dma_start3A_731, %dma_start3A_732, %dma_start3A_733] : memref<2x10x128x32xf32, #tpu.memory_space<vmem>> -> memref<1x1x128x32xf32, #tpu.memory_space<vmem>>
        %dma_start3A_735 = tpu.memref_squeeze %dma_start3A_734 : memref<1x1x128x32xf32, #tpu.memory_space<vmem>> -> memref<128x32xf32, #tpu.memory_space<vmem>>
        %dma_start3A_736 = arith.constant 0 : i32
        %dma_start3A_737 = tpu.memref_slice %arg5[%add3A_729, %dma_start3A_736] : memref<200x128xi32, #tpu.memory_space<vmem>> -> memref<1x128xi32, #tpu.memory_space<vmem>>
        %dma_start3A_738 = tpu.memref_squeeze %dma_start3A_737 : memref<1x128xi32, #tpu.memory_space<vmem>> -> memref<128xi32, #tpu.memory_space<vmem>>
        %dma_start3A_739 = arith.constant 0 : i32
        %dma_start3A_740 = arith.constant 0 : i32
        %dma_start3A_741 = tpu.memref_slice %arg3[%dma_start3A_739, %dma_start3A_740] : memref<1000000x32xf32, #tpu.memory_space<hbm>> -> memref<1000000x32xf32, #tpu.memory_space<hbm>>
        tpu.enqueue_indirect_dma source(%dma_start3A_741 : memref<1000000x32xf32, #tpu.memory_space<hbm>>) target(%dma_start3A_735 : memref<128x32xf32, #tpu.memory_space<vmem>>) offsets(%dma_start3A_738 : memref<128xi32, #tpu.memory_space<vmem>>) semaphore(%arg7 : memref<!tpu.dma_semaphore, #tpu.memory_space<semaphore_mem>>)
        %mul3A_742 = arith.constant 10 : i32
        %mul3A_743 = arith.muli %add3A_677, %mul3A_742 : i32
        %add3A_744 = arith.constant 4 : i32
        %add3A_745 = arith.addi %mul3A_743, %add3A_744 : i32
        %dma_start3A_746 = arith.constant 0 : i32
        %dma_start3A_747 = arith.constant 4 : i32
        %dma_start3A_748 = arith.constant 0 : i32
        %dma_start3A_749 = arith.constant 0 : i32
        %dma_start3A_750 = tpu.memref_slice %arg6[%dma_start3A_746, %dma_start3A_747, %dma_start3A_748, %dma_start3A_749] : memref<2x10x128x32xf32, #tpu.memory_space<vmem>> -> memref<1x1x128x32xf32, #tpu.memory_space<vmem>>
        %dma_start3A_751 = tpu.memref_squeeze %dma_start3A_750 : memref<1x1x128x32xf32, #tpu.memory_space<vmem>> -> memref<128x32xf32, #tpu.memory_space<vmem>>
        %dma_start3A_752 = arith.constant 0 : i32
        %dma_start3A_753 = tpu.memref_slice %arg5[%add3A_745, %dma_start3A_752] : memref<200x128xi32, #tpu.memory_space<vmem>> -> memref<1x128xi32, #tpu.memory_space<vmem>>
        %dma_start3A_754 = tpu.memref_squeeze %dma_start3A_753 : memref<1x128xi32, #tpu.memory_space<vmem>> -> memref<128xi32, #tpu.memory_space<vmem>>
        %dma_start3A_755 = arith.constant 0 : i32
        %dma_start3A_756 = arith.constant 0 : i32
        %dma_start3A_757 = tpu.memref_slice %arg3[%dma_start3A_755, %dma_start3A_756] : memref<1000000x32xf32, #tpu.memory_space<hbm>> -> memref<1000000x32xf32, #tpu.memory_space<hbm>>
        tpu.enqueue_indirect_dma source(%dma_start3A_757 : memref<1000000x32xf32, #tpu.memory_space<hbm>>) target(%dma_start3A_751 : memref<128x32xf32, #tpu.memory_space<vmem>>) offsets(%dma_start3A_754 : memref<128xi32, #tpu.memory_space<vmem>>) semaphore(%arg7 : memref<!tpu.dma_semaphore, #tpu.memory_space<semaphore_mem>>)
        %mul3A_758 = arith.constant 10 : i32
        %mul3A_759 = arith.muli %add3A_677, %mul3A_758 : i32
        %add3A_760 = arith.constant 5 : i32
        %add3A_761 = arith.addi %mul3A_759, %add3A_760 : i32
        %dma_start3A_762 = arith.constant 0 : i32
        %dma_start3A_763 = arith.constant 5 : i32
        %dma_start3A_764 = arith.constant 0 : i32
        %dma_start3A_765 = arith.constant 0 : i32
        %dma_start3A_766 = tpu.memref_slice %arg6[%dma_start3A_762, %dma_start3A_763, %dma_start3A_764, %dma_start3A_765] : memref<2x10x128x32xf32, #tpu.memory_space<vmem>> -> memref<1x1x128x32xf32, #tpu.memory_space<vmem>>
        %dma_start3A_767 = tpu.memref_squeeze %dma_start3A_766 : memref<1x1x128x32xf32, #tpu.memory_space<vmem>> -> memref<128x32xf32, #tpu.memory_space<vmem>>
        %dma_start3A_768 = arith.constant 0 : i32
        %dma_start3A_769 = tpu.memref_slice %arg5[%add3A_761, %dma_start3A_768] : memref<200x128xi32, #tpu.memory_space<vmem>> -> memref<1x128xi32, #tpu.memory_space<vmem>>
        %dma_start3A_770 = tpu.memref_squeeze %dma_start3A_769 : memref<1x128xi32, #tpu.memory_space<vmem>> -> memref<128xi32, #tpu.memory_space<vmem>>
        %dma_start3A_771 = arith.constant 0 : i32
        %dma_start3A_772 = arith.constant 0 : i32
        %dma_start3A_773 = tpu.memref_slice %arg3[%dma_start3A_771, %dma_start3A_772] : memref<1000000x32xf32, #tpu.memory_space<hbm>> -> memref<1000000x32xf32, #tpu.memory_space<hbm>>
        tpu.enqueue_indirect_dma source(%dma_start3A_773 : memref<1000000x32xf32, #tpu.memory_space<hbm>>) target(%dma_start3A_767 : memref<128x32xf32, #tpu.memory_space<vmem>>) offsets(%dma_start3A_770 : memref<128xi32, #tpu.memory_space<vmem>>) semaphore(%arg7 : memref<!tpu.dma_semaphore, #tpu.memory_space<semaphore_mem>>)
        %mul3A_774 = arith.constant 10 : i32
        %mul3A_775 = arith.muli %add3A_677, %mul3A_774 : i32
        %add3A_776 = arith.constant 6 : i32
        %add3A_777 = arith.addi %mul3A_775, %add3A_776 : i32
        %dma_start3A_778 = arith.constant 0 : i32
        %dma_start3A_779 = arith.constant 6 : i32
        %dma_start3A_780 = arith.constant 0 : i32
        %dma_start3A_781 = arith.constant 0 : i32
        %dma_start3A_782 = tpu.memref_slice %arg6[%dma_start3A_778, %dma_start3A_779, %dma_start3A_780, %dma_start3A_781] : memref<2x10x128x32xf32, #tpu.memory_space<vmem>> -> memref<1x1x128x32xf32, #tpu.memory_space<vmem>>
        %dma_start3A_783 = tpu.memref_squeeze %dma_start3A_782 : memref<1x1x128x32xf32, #tpu.memory_space<vmem>> -> memref<128x32xf32, #tpu.memory_space<vmem>>
        %dma_start3A_784 = arith.constant 0 : i32
        %dma_start3A_785 = tpu.memref_slice %arg5[%add3A_777, %dma_start3A_784] : memref<200x128xi32, #tpu.memory_space<vmem>> -> memref<1x128xi32, #tpu.memory_space<vmem>>
        %dma_start3A_786 = tpu.memref_squeeze %dma_start3A_785 : memref<1x128xi32, #tpu.memory_space<vmem>> -> memref<128xi32, #tpu.memory_space<vmem>>
        %dma_start3A_787 = arith.constant 0 : i32
        %dma_start3A_788 = arith.constant 0 : i32
        %dma_start3A_789 = tpu.memref_slice %arg3[%dma_start3A_787, %dma_start3A_788] : memref<1000000x32xf32, #tpu.memory_space<hbm>> -> memref<1000000x32xf32, #tpu.memory_space<hbm>>
        tpu.enqueue_indirect_dma source(%dma_start3A_789 : memref<1000000x32xf32, #tpu.memory_space<hbm>>) target(%dma_start3A_783 : memref<128x32xf32, #tpu.memory_space<vmem>>) offsets(%dma_start3A_786 : memref<128xi32, #tpu.memory_space<vmem>>) semaphore(%arg7 : memref<!tpu.dma_semaphore, #tpu.memory_space<semaphore_mem>>)
        %mul3A_790 = arith.constant 10 : i32
        %mul3A_791 = arith.muli %add3A_677, %mul3A_790 : i32
        %add3A_792 = arith.constant 7 : i32
        %add3A_793 = arith.addi %mul3A_791, %add3A_792 : i32
        %dma_start3A_794 = arith.constant 0 : i32
        %dma_start3A_795 = arith.constant 7 : i32
        %dma_start3A_796 = arith.constant 0 : i32
        %dma_start3A_797 = arith.constant 0 : i32
        %dma_start3A_798 = tpu.memref_slice %arg6[%dma_start3A_794, %dma_start3A_795, %dma_start3A_796, %dma_start3A_797] : memref<2x10x128x32xf32, #tpu.memory_space<vmem>> -> memref<1x1x128x32xf32, #tpu.memory_space<vmem>>
        %dma_start3A_799 = tpu.memref_squeeze %dma_start3A_798 : memref<1x1x128x32xf32, #tpu.memory_space<vmem>> -> memref<128x32xf32, #tpu.memory_space<vmem>>
        %dma_start3A_800 = arith.constant 0 : i32
        %dma_start3A_801 = tpu.memref_slice %arg5[%add3A_793, %dma_start3A_800] : memref<200x128xi32, #tpu.memory_space<vmem>> -> memref<1x128xi32, #tpu.memory_space<vmem>>
        %dma_start3A_802 = tpu.memref_squeeze %dma_start3A_801 : memref<1x128xi32, #tpu.memory_space<vmem>> -> memref<128xi32, #tpu.memory_space<vmem>>
        %dma_start3A_803 = arith.constant 0 : i32
        %dma_start3A_804 = arith.constant 0 : i32
        %dma_start3A_805 = tpu.memref_slice %arg3[%dma_start3A_803, %dma_start3A_804] : memref<1000000x32xf32, #tpu.memory_space<hbm>> -> memref<1000000x32xf32, #tpu.memory_space<hbm>>
        tpu.enqueue_indirect_dma source(%dma_start3A_805 : memref<1000000x32xf32, #tpu.memory_space<hbm>>) target(%dma_start3A_799 : memref<128x32xf32, #tpu.memory_space<vmem>>) offsets(%dma_start3A_802 : memref<128xi32, #tpu.memory_space<vmem>>) semaphore(%arg7 : memref<!tpu.dma_semaphore, #tpu.memory_space<semaphore_mem>>)
        %mul3A_806 = arith.constant 10 : i32
        %mul3A_807 = arith.muli %add3A_677, %mul3A_806 : i32
        %add3A_808 = arith.constant 8 : i32
        %add3A_809 = arith.addi %mul3A_807, %add3A_808 : i32
        %dma_start3A_810 = arith.constant 0 : i32
        %dma_start3A_811 = arith.constant 8 : i32
        %dma_start3A_812 = arith.constant 0 : i32
        %dma_start3A_813 = arith.constant 0 : i32
        %dma_start3A_814 = tpu.memref_slice %arg6[%dma_start3A_810, %dma_start3A_811, %dma_start3A_812, %dma_start3A_813] : memref<2x10x128x32xf32, #tpu.memory_space<vmem>> -> memref<1x1x128x32xf32, #tpu.memory_space<vmem>>
        %dma_start3A_815 = tpu.memref_squeeze %dma_start3A_814 : memref<1x1x128x32xf32, #tpu.memory_space<vmem>> -> memref<128x32xf32, #tpu.memory_space<vmem>>
        %dma_start3A_816 = arith.constant 0 : i32
        %dma_start3A_817 = tpu.memref_slice %arg5[%add3A_809, %dma_start3A_816] : memref<200x128xi32, #tpu.memory_space<vmem>> -> memref<1x128xi32, #tpu.memory_space<vmem>>
        %dma_start3A_818 = tpu.memref_squeeze %dma_start3A_817 : memref<1x128xi32, #tpu.memory_space<vmem>> -> memref<128xi32, #tpu.memory_space<vmem>>
        %dma_start3A_819 = arith.constant 0 : i32
        %dma_start3A_820 = arith.constant 0 : i32
        %dma_start3A_821 = tpu.memref_slice %arg3[%dma_start3A_819, %dma_start3A_820] : memref<1000000x32xf32, #tpu.memory_space<hbm>> -> memref<1000000x32xf32, #tpu.memory_space<hbm>>
        tpu.enqueue_indirect_dma source(%dma_start3A_821 : memref<1000000x32xf32, #tpu.memory_space<hbm>>) target(%dma_start3A_815 : memref<128x32xf32, #tpu.memory_space<vmem>>) offsets(%dma_start3A_818 : memref<128xi32, #tpu.memory_space<vmem>>) semaphore(%arg7 : memref<!tpu.dma_semaphore, #tpu.memory_space<semaphore_mem>>)
        %mul3A_822 = arith.constant 10 : i32
        %mul3A_823 = arith.muli %add3A_677, %mul3A_822 : i32
        %add3A_824 = arith.constant 9 : i32
        %add3A_825 = arith.addi %mul3A_823, %add3A_824 : i32
        %dma_start3A_826 = arith.constant 0 : i32
        %dma_start3A_827 = arith.constant 9 : i32
        %dma_start3A_828 = arith.constant 0 : i32
        %dma_start3A_829 = arith.constant 0 : i32
        %dma_start3A_830 = tpu.memref_slice %arg6[%dma_start3A_826, %dma_start3A_827, %dma_start3A_828, %dma_start3A_829] : memref<2x10x128x32xf32, #tpu.memory_space<vmem>> -> memref<1x1x128x32xf32, #tpu.memory_space<vmem>>
        %dma_start3A_831 = tpu.memref_squeeze %dma_start3A_830 : memref<1x1x128x32xf32, #tpu.memory_space<vmem>> -> memref<128x32xf32, #tpu.memory_space<vmem>>
        %dma_start3A_832 = arith.constant 0 : i32
        %dma_start3A_833 = tpu.memref_slice %arg5[%add3A_825, %dma_start3A_832] : memref<200x128xi32, #tpu.memory_space<vmem>> -> memref<1x128xi32, #tpu.memory_space<vmem>>
        %dma_start3A_834 = tpu.memref_squeeze %dma_start3A_833 : memref<1x128xi32, #tpu.memory_space<vmem>> -> memref<128xi32, #tpu.memory_space<vmem>>
        %dma_start3A_835 = arith.constant 0 : i32
        %dma_start3A_836 = arith.constant 0 : i32
        %dma_start3A_837 = tpu.memref_slice %arg3[%dma_start3A_835, %dma_start3A_836] : memref<1000000x32xf32, #tpu.memory_space<hbm>> -> memref<1000000x32xf32, #tpu.memory_space<hbm>>
        tpu.enqueue_indirect_dma source(%dma_start3A_837 : memref<1000000x32xf32, #tpu.memory_space<hbm>>) target(%dma_start3A_831 : memref<128x32xf32, #tpu.memory_space<vmem>>) offsets(%dma_start3A_834 : memref<128xi32, #tpu.memory_space<vmem>>) semaphore(%arg7 : memref<!tpu.dma_semaphore, #tpu.memory_space<semaphore_mem>>)
      } else {
      }
    }
    %scan3A_134 = arith.constant 10 : i32
    %dma_wait3A = arith.constant 0 : i32
    %dma_wait3A_135 = arith.constant 0 : i32
    %dma_wait3A_136 = arith.constant 0 : i32
    %dma_wait3A_137 = arith.constant 0 : i32
    %dma_wait3A_138 = tpu.memref_slice %arg6[%dma_wait3A, %dma_wait3A_135, %dma_wait3A_136, %dma_wait3A_137] : memref<2x10x128x32xf32, #tpu.memory_space<vmem>> -> memref<1x10x128x32xf32, #tpu.memory_space<vmem>>
    %dma_wait3A_139 = tpu.memref_squeeze %dma_wait3A_138 : memref<1x10x128x32xf32, #tpu.memory_space<vmem>> -> memref<10x128x32xf32, #tpu.memory_space<vmem>>
    %dma_wait3A_140 = arith.constant 0 : i32
    %dma_wait3A_141 = arith.constant 0 : i32
    %dma_wait3A_142 = arith.constant 0 : i32
    %dma_wait3A_143 = tpu.memref_slice %arg4[%add3A, %dma_wait3A_140, %dma_wait3A_141, %dma_wait3A_142] : memref<32x200x128x32xf32, #tpu.memory_space<hbm>> -> memref<1x10x128x32xf32, #tpu.memory_space<hbm>>
    %dma_wait3A_144 = tpu.memref_squeeze %dma_wait3A_143 : memref<1x10x128x32xf32, #tpu.memory_space<hbm>> -> memref<10x128x32xf32, #tpu.memory_space<hbm>>
    %dma_wait3A_145 = arith.constant 0 : i32
    %dma_wait3A_146 = arith.constant 0 : i32
    %dma_wait3A_147 = arith.constant 0 : i32
    %dma_wait3A_148 = tpu.memref_slice %arg4[%add3A, %dma_wait3A_145, %dma_wait3A_146, %dma_wait3A_147] : memref<32x200x128x32xf32, #tpu.memory_space<hbm>> -> memref<1x10x128x32xf32, #tpu.memory_space<hbm>>
    %dma_wait3A_149 = tpu.memref_squeeze %dma_wait3A_148 : memref<1x10x128x32xf32, #tpu.memory_space<hbm>> -> memref<10x128x32xf32, #tpu.memory_space<hbm>>
    %dma_wait3A_150 = arith.constant 0 : i32
    %dma_wait3A_151 = arith.constant 0 : i32
    %dma_wait3A_152 = arith.constant 0 : i32
    %dma_wait3A_153 = tpu.memref_slice %arg6[%dma_wait3A, %dma_wait3A_150, %dma_wait3A_151, %dma_wait3A_152] : memref<2x10x128x32xf32, #tpu.memory_space<vmem>> -> memref<1x10x128x32xf32, #tpu.memory_space<vmem>>
    %dma_wait3A_154 = tpu.memref_squeeze %dma_wait3A_153 : memref<1x10x128x32xf32, #tpu.memory_space<vmem>> -> memref<10x128x32xf32, #tpu.memory_space<vmem>>
    tpu.wait_dma2 semaphore(%arg9 : memref<!tpu.dma_semaphore, #tpu.memory_space<semaphore_mem>>) src(%dma_wait3A_154 : memref<10x128x32xf32, #tpu.memory_space<vmem>>) dst(%dma_wait3A_149 : memref<10x128x32xf32, #tpu.memory_space<hbm>>)
    %dma_wait3A_155 = arith.constant 1 : i32
    %dma_wait3A_156 = arith.constant 0 : i32
    %dma_wait3A_157 = arith.constant 0 : i32
    %dma_wait3A_158 = arith.constant 0 : i32
    %dma_wait3A_159 = tpu.memref_slice %arg6[%dma_wait3A_155, %dma_wait3A_156, %dma_wait3A_157, %dma_wait3A_158] : memref<2x10x128x32xf32, #tpu.memory_space<vmem>> -> memref<1x10x128x32xf32, #tpu.memory_space<vmem>>
    %dma_wait3A_160 = tpu.memref_squeeze %dma_wait3A_159 : memref<1x10x128x32xf32, #tpu.memory_space<vmem>> -> memref<10x128x32xf32, #tpu.memory_space<vmem>>
    %dma_wait3A_161 = arith.constant 0 : i32
    %dma_wait3A_162 = arith.constant 0 : i32
    %dma_wait3A_163 = arith.constant 0 : i32
    %dma_wait3A_164 = tpu.memref_slice %arg4[%add3A, %dma_wait3A_161, %dma_wait3A_162, %dma_wait3A_163] : memref<32x200x128x32xf32, #tpu.memory_space<hbm>> -> memref<1x10x128x32xf32, #tpu.memory_space<hbm>>
    %dma_wait3A_165 = tpu.memref_squeeze %dma_wait3A_164 : memref<1x10x128x32xf32, #tpu.memory_space<hbm>> -> memref<10x128x32xf32, #tpu.memory_space<hbm>>
    %dma_wait3A_166 = arith.constant 0 : i32
    %dma_wait3A_167 = arith.constant 0 : i32
    %dma_wait3A_168 = arith.constant 0 : i32
    %dma_wait3A_169 = tpu.memref_slice %arg4[%add3A, %dma_wait3A_166, %dma_wait3A_167, %dma_wait3A_168] : memref<32x200x128x32xf32, #tpu.memory_space<hbm>> -> memref<1x10x128x32xf32, #tpu.memory_space<hbm>>
    %dma_wait3A_170 = tpu.memref_squeeze %dma_wait3A_169 : memref<1x10x128x32xf32, #tpu.memory_space<hbm>> -> memref<10x128x32xf32, #tpu.memory_space<hbm>>
    %dma_wait3A_171 = arith.constant 0 : i32
    %dma_wait3A_172 = arith.constant 0 : i32
    %dma_wait3A_173 = arith.constant 0 : i32
    %dma_wait3A_174 = tpu.memref_slice %arg6[%dma_wait3A_155, %dma_wait3A_171, %dma_wait3A_172, %dma_wait3A_173] : memref<2x10x128x32xf32, #tpu.memory_space<vmem>> -> memref<1x10x128x32xf32, #tpu.memory_space<vmem>>
    %dma_wait3A_175 = tpu.memref_squeeze %dma_wait3A_174 : memref<1x10x128x32xf32, #tpu.memory_space<vmem>> -> memref<10x128x32xf32, #tpu.memory_space<vmem>>
    tpu.wait_dma2 semaphore(%arg10 : memref<!tpu.dma_semaphore, #tpu.memory_space<semaphore_mem>>) src(%dma_wait3A_175 : memref<10x128x32xf32, #tpu.memory_space<vmem>>) dst(%dma_wait3A_170 : memref<10x128x32xf32, #tpu.memory_space<hbm>>)
    return
  }
}

</mosaic_0001>

<sc_bundles>
// kernel: kernel.3.cloned.1.call-start
scs
__scs_entry_jumppad:
0x0: {  	(pc) =	sbr.rel $0x88, $3  }
0x1: {  	(tag) =	ssettag $0x0;
	lr =	simm.s32 $0x1  }
0x2: {  	[smem:$0x3F9F] =	sst lr;
	_ =	strace $0xD0000000  }
0x3: {  	_ = 	snop  }
0x4: {  	_ = 	snop  }
0x5: {  	_ = 	snop  }
0x6: {  	_ = 	snop  }
0x7: {  	_ = 	snop  }
__scs_overlays_trampoline_lowered:
0x8: {  	[smem:$0x3FAE] =	sst s0  }
0x9: {  	[smem:$0x3FAF] =	sst s1  }
0xa: {  	[smem:$0x3FB0] =	sst s2  }
0xb: {  	[smem:$0x3FB1] =	sst s3  }
0xc: {  	[smem:$0x3FB2] =	sst s4  }
0xd: {  	[smem:$0x3FB3] =	sst s5  }
0xe: {  	[smem:$0x3FB4] =	sst s6  }
0xf: {  	[smem:$0x3FB5] =	sst s7  }
0x10: {  	[smem:$0x3FB6] =	sst s8  }
0x11: {  	[smem:$0x3FB7] =	sst s9;
	s0 =	simm.s32 @!p0 $0x0  }
0x12: {  	s1 =	sld [smem:$0x3F9D];
	s0 =	simm.s32 @p0 $0x1  }
0x13: {  	[smem:$0x3FB8] =	sst s0;
	s0 =	simm.s32 @!p1 $0x0  }
0x14: {  	s2 =	sld [smem:$0x3F9C];
	s0 =	simm.s32 @p1 $0x1  }
0x15: {  	[smem:$0x3FB9] =	sst s0;
	s0 =	simm.s32 @!p2 $0x0  }
0x16: {  	s3 =	sld [smem:$0x3FDB];
	s0 =	simm.s32 @p2 $0x1  }
0x17: {  	s4 =	simm.s32 $0x1BF5;
	[smem:$0x3FBB] =	sst s0  }
0x18: {  	s0 =	sld [smem:$0x3F9E];
	_ =	swait.ge [sflag:s4], $0x0  }
0x19: {  	s7 =	sld [smem:$0x3F9F]  }
0x1a: {  	s8 =	sadd.s32 $0xFFFFE003, lr  }
0x1b: {  	s9 =	sadd.s32 $0xFFFFFEF7, lr;
	s5 =	simm.s32 $0xFFFFFFFF;
	p2 =	slt.u32 s8, $0xFFFFF086  }
0x1c: {  	p1 =	slt.u32 s9, $0xF7A;
	s5 =	simm.s32 @!p2 $0x0  }
0x1d: {  	s5 =	simm.s32 @p1 $0x1;
	p0 =	seq.s32 s7, s2  }
0x1e: {  	s7 =	smul.u32 @!p0 $0xF7A, s2;
	p2 =	seq.s32 @!p0 s5, $0x0  }
0x1f: {  	s9 =	smul.u32 $0xF7A, s1;
	s8 =	simm.s32 @!p0 $0x1BF5;
	p2 =	por !p2, p0  }
0x20: {  	[sflag:s8] =	ssyncset.s32 @!p0 $0xFFFFF086;
	s6 =	sadd.s32 @!p0 s3, s7;
	s7 =	simm.s32 @!p0 $0x108  }
0x21: {  	s3 =	sadd.s32 s3, s9;
	s6 =	sadd.s32 @!p0 $0x88, s6;
	s7 =	simm.s32 @p2 $0x1082  }
0x22: {  	[simem:s7], [sflag:s8] =	dma.local @!p0 [hbm:s6], $0xF7A  }
0x23: {  	s9 =	sor.u32 $0xD0000000, s2;
	s6 =	simm.s32 $0x108;
	_ =	swait.ge @!p0 [sflag:s8], $0x0  }
0x24: {  	s3 =	sadd.s32 $0x88, s3;
	s6 =	simm.s32 @!p1 $0x1082;
	[sflag:s4] =	ssyncset.s32 $0xFFFFF086  }
0x25: {  	[simem:s6], [sflag:s4] =	dma.local [hbm:s3], $0xF7A  }
0x26: {  	[smem:$0x3F9F] =	sst s1;
	(tag) =	ssettag s2;
	_ =	strace s9  }
0x27: {  	s1 =	sld [smem:$0x3FAF]  }
0x28: {  	s2 =	sld [smem:$0x3FB0]  }
0x29: {  	s4 =	sld [smem:$0x3FB2]  }
0x2a: {  	p0 =	seq.s32 s5, $0x0;
	s5 =	sld [smem:$0x3FB3]  }
0x2b: {  	s6 =	sld [smem:$0x3FB4]  }
0x2c: {  	s7 =	sld [smem:$0x3FB5]  }
0x2d: {  	s3 =	simm.s32 $0x108;
	s8 =	sld [smem:$0x3FB6]  }
0x2e: {  	s3 =	simm.s32 @!p0 $0x1082;
	s9 =	sld [smem:$0x3FB7]  }
0x2f: {  	lr =	sadd.s32 s0, s3;
	s0 =	sld [smem:$0x3FAE]  }
0x30: {  	s3 =	sld [smem:$0x3FB1]  }
0x31: {  	[smem:$0x3FBA] =	sst s10  }
0x32: {  	s10 =	sld [smem:$0x3FB8];
	_ =	sdelay $0x3  }
0x33: {  	p0 =	seq.s32 s10, $0x1;
	s10 =	sld [smem:$0x3FBA];
	_ =	sdelay $0x3  }
0x34: {  	[smem:$0x3FBA] =	sst s10  }
0x35: {  	s10 =	sld [smem:$0x3FB9];
	_ =	sdelay $0x3  }
0x36: {  	p1 =	seq.s32 s10, $0x1;
	s10 =	sld [smem:$0x3FBA];
	_ =	sdelay $0x3  }
0x37: {  	[smem:$0x3FBA] =	sst s10  }
0x38: {  	s10 =	sld [smem:$0x3FBB]  }
0x39: {  	_ = 	snop;
	(pc) =	sbr.ind lr, $3  }
0x3a: {  	_ = 	snop  }
0x3b: {  	_ = 	snop  }
0x3c: {  	p2 =	seq.s32 s10, $0x1;
	s10 =	sld [smem:$0x3FBA]  }
0x3d: {  	_ =	shalt  }
0x3e: {  	_ =	shalt  }
0x3f: {  	_ =	shalt  }
0x40: {  	_ =	shalt  }
0x41: {  	_ =	shalt  }
0x42: {  	_ =	shalt  }
0x43: {  	_ =	shalt  }
0x44: {  	_ =	shalt  }
0x45: {  	_ =	shalt  }
0x46: {  	_ =	shalt  }
0x47: {  	_ =	shalt  }
0x48: {  	_ =	shalt  }
0x49: {  	_ =	shalt  }
0x4a: {  	_ =	shalt  }
0x4b: {  	_ =	shalt  }
0x4c: {  	_ =	shalt  }
0x4d: {  	_ =	shalt  }
0x4e: {  	_ =	shalt  }
0x4f: {  	_ =	shalt  }
0x50: {  	_ =	shalt  }
0x51: {  	_ =	shalt  }
0x52: {  	_ =	shalt  }
0x53: {  	_ =	shalt  }
0x54: {  	_ =	shalt  }
0x55: {  	_ =	shalt  }
0x56: {  	_ =	shalt  }
0x57: {  	_ =	shalt  }
0x58: {  	_ =	shalt  }
0x59: {  	_ =	shalt  }
0x5a: {  	_ =	shalt  }
0x5b: {  	_ =	shalt  }
0x5c: {  	_ =	shalt  }
0x5d: {  	_ =	shalt  }
0x5e: {  	_ =	shalt  }
0x5f: {  	_ =	shalt  }
0x60: {  	_ =	shalt  }
0x61: {  	_ =	shalt  }
0x62: {  	_ =	shalt  }
0x63: {  	_ =	shalt  }
0x64: {  	_ =	shalt  }
0x65: {  	_ =	shalt  }
0x66: {  	_ =	shalt  }
0x67: {  	_ =	shalt  }
0x68: {  	_ =	shalt  }
0x69: {  	_ =	shalt  }
0x6a: {  	_ =	shalt  }
0x6b: {  	_ =	shalt  }
0x6c: {  	_ =	shalt  }
0x6d: {  	_ =	shalt  }
0x6e: {  	_ =	shalt  }
0x6f: {  	_ =	shalt  }
0x70: {  	_ =	shalt  }
0x71: {  	_ =	shalt  }
0x72: {  	_ =	shalt  }
0x73: {  	_ =	shalt  }
0x74: {  	_ =	shalt  }
0x75: {  	_ =	shalt  }
0x76: {  	_ =	shalt  }
0x77: {  	_ =	shalt  }
0x78: {  	_ =	shalt  }
0x79: {  	_ =	shalt  }
0x7a: {  	_ =	shalt  }
0x7b: {  	_ =	shalt  }
0x7c: {  	_ =	shalt  }
0x7d: {  	_ =	shalt  }
0x7e: {  	_ =	shalt  }
0x7f: {  	_ =	shalt  }
0x80: {  	_ =	shalt  }
0x81: {  	_ =	shalt  }
0x82: {  	_ =	shalt  }
0x83: {  	_ =	shalt  }
0x84: {  	_ =	shalt  }
0x85: {  	_ =	shalt  }
0x86: {  	_ =	shalt  }
0x87: {  	_ =	shalt  }
.Lfunc_end0:
.L_simem_size_0:
called_computation.2_lowered:
.L_overlay_start_0:
0x88: {  	s2 =	sld [smem:$0x3FD9]  }
0x89: {  	s3 =	sld [smem:$0x3FFE];
	_ =	sdelay $0x1  }
0x8a: {  	s1 =	srdreg.scid  }
0x8b: {  	s0 =	sand.u32 $0x1, s1  }
0x8c: {  	s17 =	sshll.u32 s0, $0xA;
	s2 =	sadd.s32 s3, s2  }
0x8d: {  	s2 =	sadd.s32 s2, s17  }
0x8e: {  	[smem:$0x3FC6] =	sst s2  }
0x8f: {  	_ = 	snop  }
0x90: {  	s2 =	sld [smem:$0x3FD0];
	(tm) =	ssettm $0x1  }
0x91: {  	s18 =	sld [smem:$0x3FFB];
	_ =	sdelay $0x3  }
0x92: {  	_ =	strace s18  }
0x93: {  	s3 =	sld [smem:$0x3FFC];
	_ =	sdelay $0x3  }
0x94: {  	_ =	strace s3  }
0x95: {  	s3 =	sld [smem:$0x3FFD];
	_ =	sdelay $0x3  }
0x96: {  	_ =	strace s3  }
0x97: {  	_ =	strace $0x8FFFFFFF  }
0x98: {  	s19 =	sld [smem:$0x3FDB];
	_ =	sdelay $0x1  }
0x99: {  	s4 =	simm.s32 $_scs_section_size  }
0x9a: {  	s5 =	simm.s32 $_size__tile_overlayer_lowered;
	s6 =	simm.s32 $_tile_overlayer_lowered  }
0x9b: {  	s22 =	simm.s32 $0x1BFF;
	s21 =	sshll.u32 s6, $0x1;
	s3 =	sadd.s32 s4, s19  }
0x9c: {  	s7 =	simm.s32 $0x0;
	s20 =	sshll.u32 s5, $0x1;
	s5 =	sadd.s32 s21, s3  }
0x9d: {  	[timem:s7], [sflag:s22] =	dma.local [hbm:s5], s20  }
0x9e: {  	_ =	swait.ge [sflag:s22], s20  }
0x9f: {  	s4 =	ssub.s32 $0x0, s20;
	[sflag:s22] =	ssyncset.done $0x0  }
0xa0: {  	[sflag:s22] =	ssyncadd.s32 s4;
	_ =	sdelay $0x1  }
0xa1: {  	s23 =	simm.s32 $0x1B8B  }
0xa2: {  	_ =	swait.ge [sflag:s23], $0x1  }
0xa3: {  	[sflag:s23] =	ssyncset.done $0x0  }
0xa4: {  	s25 =	simm.s32 $0x1B8E;
	s24 =	sld [smem:$0x3FFE];
	[sflag:s23] =	ssyncadd.s32 $0xFFFFFFFF  }
0xa5: {  	s26 =	simm.s32 $execute0_lowered;
	[smem:$0x3FD2] =	sst s25  }
0xa6: {  	s5 =	sshll.u32 s26, $0x1;
	_ =	strace $0x80000046;
	[dreg:$0x1] =	wrdreg $0xFFFFFFFF  }
0xa7: {  	s28 =	simm.s32 $_size_execute0_lowered;
	s3 =	sadd.s32 s3, s5;
	[dreg:$0x0] =	wrdreg $0x0  }
0xa8: {  	s5 =	sshll.u32 s28, $0x1;
	[dreg:$0x2] =	wrdreg s3  }
0xa9: {  	[dreg:$0x3] =	wrdreg s5  }
0xaa: {  	[dreg:$0x4] =	wrdreg $0xC0  }
0xab: {  	_ =	task [dreg:s7], $0x5FFFF  }
0xac: {  	[dreg:$0x1] =	wrdreg $0xFFFFFFFF  }
0xad: {  	[dreg:$0x0] =	wrdreg $0x60  }
0xae: {  	[dreg:$0x2] =	wrdreg s24  }
0xaf: {  	[dreg:$0x3] =	wrdreg s2  }
0xb0: {  	[dreg:$0x4] =	wrdreg $0x9  }
0xb1: {  	_ =	task.clear_ibuf [dreg:s7], $0x5FFFF;
	_ =	strace $0x90000046  }
0xb2: {  	s29 =	simm.s32 $0x9;
	_ =	strace $0x80000048  }
0xb3: {  	_ =	swait.ge [sflag:s29], $0x1  }
0xb4: {  	[sflag:s29] =	ssyncadd.s32 $0xFFFFFFFF  }
0xb5: {  	_ =	strace $0x90000048  }
0xb6: {  	_ =	sfence  }
0xb7: {  	s30 =	sld [smem:$0x0];
	_ =	sdelay $0x2  }
0xb8: {  	s31 =	sshll.u32 s1, $0xD;
	s1 =	sshrl.u32 s1, $0x2  }
0xb9: {  	s3 =	sand.u32 $0x4000, s31;
	s1 =	sadd.s32 s1, s30  }
0xba: {  	s0 =	sor.u32 s3, s0;
	s1 =	sshll.u32 s1, $0x11  }
0xbb: {  	s0 =	sor.u32 s1, s0  }
0xbc: {  	s0 =	sadd.s32 $0x8F2B, s0  }
0xbd: {  	[sflag:s0] =	ssyncadd.remote.s32 $0x1  }
0xbe: {  	_ =	sfence.sel $0xFFFF  }
0xbf: {  	[dreg:$0x0] =	wrdreg $0xFFFFFFFF;
	(pc) =	sbr.abs _section_cstart, $3  }
0xc0: {  	[dreg:$0x1] =	wrdreg $0xFFFFFFFF  }
0xc1: {  	_ =	task.clear_ibuf [dreg:s7], $0x2FFFF;
	_ =	strace $0x9FFFFFFF  }
0xc2: {  	(tm) =	ssettm $0x7FFFFFFF  }
0xc3: {  	_ =	shalt  }
tec
execute0_lowered:
.L_overlay_start_1:
0x0: {  	(tag) =	ssettag $0x1  }
0x1: {  	s0 =	srdreg.scid  }
0x2: {  	s5 =	stileid.u32;
	s3 =	rddreg [dreg:$0x0]  }
0x3: {  	s4 =	rddreg [dreg:$0x1];
	s2 =	simm.s32 $0x0;
	s9 =	simm.s32 $0x80  }
0x4: {  	s10 =	simm.s32 $0x6400;
	s11 =	simm.s32 $0x7400;
	s13 =	simm.s32 $0x8400  }
0x5: {  	s15 =	simm.s32 $0x9400;
	s17 =	simm.s32 $0xA400;
	s19 =	simm.s32 $0xB400  }
0x6: {  	s21 =	simm.s32 $0xC400;
	s23 =	simm.s32 $0xD400;
	s28 =	simm.s32 $0xF400  }
0x7: {  	s29 =	simm.s32 $0x1;
	s30 =	simm.s32 $0x10400;
	s31 =	simm.s32 $0x11400  }
0x8: {  	s12 =	simm.s32 $0x14400;
	s14 =	simm.s32 $0x15400;
	s16 =	simm.s32 $0x16400  }
0x9: {  	s18 =	simm.s32 $0x17400;
	s20 =	simm.s32 $0x18400;
	s22 =	simm.s32 $0x19400  }
0xa: {  	s0 =	sand.u32 $0x1, s0;
	s1 =	sshll.u32 s5, $0x1;
	s5 =	smul.u32 $0x190000, s5  }
0xb: {  	s8 =	simm.s32 $0x0;
	s1 =	sor.u32 s0, s1;
	s6 =	smul.u32 $0xC8000, s0  }
0xc: {  	[smem:$0x7FF] =	sst s2;
	s0 =	ssub.s32 $0x2, s0;
	s1 =	smul.u32 $0xC80, s1  }
0xd: {  	_ =	strace $0x80000047;
	s24 =	sshrl.u32 s0, $0x1;
	s5 =	sadd.s32 s6, s5  }
0xe: {  	s0 =	ssub.s32 s0, s24;
	s24 =	simm.s32 $0x2;
	s1 =	sadd.s32 s1, s3  }
.Ltmp0:
0xf: {  	s3 =	sadd.s32 $0xF43200, s3;
	s7 =	sadd.s32 $0xA000, s5;
	(pc) =	sbr.rel .LBB2_1-.Ltmp0, $4  }
0x10: {  	s0 =	smax.u32 s0, $0x1;
	s26 =	sshrl.u32 s5, $0x3;
	s1 =	sadd.s32 $0xE00, s1  }
0x11: {  	s25 =	sshrl.u32 s7, $0x3;
	[dreg:$0x4] =	wrdreg s0;
	s7 =	sadd.s32 s26, s4  }
0x12: {  	s0 =	simm.s32 $0x13400;
	s26 =	simm.s32 $0x3;
	[dreg:$0x3] =	wrdreg s1  }
0x13: {  	s6 =	sadd.s32 s25, s4;
	s25 =	simm.s32 $0xE400;
	s1 =	simm.s32 $0x12400  }
.LBB2_4:
0x14: {  	s5 =	simm.s32 $0x4  }
0x15: {  	_ =	swait.ge [sflag:s5], $0xA000  }
0x16: {  	s8 =	rddreg [dreg:$0x5]  }
0x17: {  	s4 =	rddreg [dreg:$0x4];
	s8 =	sadd.s32 $0x1, s8  }
0x18: {  	p0 =	sne.s32 s8, s4  }
.Ltmp1:
0x19: {  	_ = 	snop;
	(pc) =	sbr.rel @!p0 .LBB2_5-.Ltmp1, $3  }
0x1a: {  	_ =	sdelay $0x1  }
0x1b: {  	[sflag:s5] =	ssyncset.done $0x0  }
0x1c: {  	[sflag:s5] =	ssyncadd.s32 $0xFFFF6000  }
.LBB2_1:
0x1d: {  	[dreg:$0x5] =	wrdreg s8  }
0x1e: {  	s4 =	rddreg [dreg:$0x3];
	s8 =	simm.s32 $0x5  }
0x1f: {  	[tilespmem:s2], [sflag:$0x5] =	stream.linear.gather [hbm4b:s4+s2], $0x6400, $0x38;
	[tilespmem:$0x1A400] =	vst v63  }
0x20: {  	_ =	swait.ge [sflag:s8], $0x6400  }
0x21: {  	[sflag:s8] =	ssyncset.done $0x0  }
0x22: {  	[sflag:s8] =	ssyncadd.s32 $0xFFFF9C00  }
0x23: {  	[tilespmem:s10], [sflag:$0x1] =	stream.indirect.gather [hbm4b:s3+s9], $0x20, s2, s9, $0xb8;
	[tilespmem:$0x1A400] =	vst v63  }
0x24: {  	_ = 	snop  }
0x25: {  	[tilespmem:s11], [sflag:$0x1] =	stream.indirect.gather [hbm4b:s3+s9], $0x20, s9, s9, $0xb8;
	[tilespmem:$0x1A400] =	vst v63  }
0x26: {  	s5 =	simm.s32 $0x100  }
0x27: {  	[tilespmem:s13], [sflag:$0x1] =	stream.indirect.gather [hbm4b:s3+s9], $0x20, s5, s9, $0xb8;
	[tilespmem:$0x1A400] =	vst v63  }
0x28: {  	s8 =	simm.s32 $0x180  }
0x29: {  	[tilespmem:s15], [sflag:$0x1] =	stream.indirect.gather [hbm4b:s3+s9], $0x20, s8, s9, $0xb8;
	[tilespmem:$0x1A400] =	vst v63  }
0x2a: {  	s5 =	simm.s32 $0x200  }
0x2b: {  	[tilespmem:s17], [sflag:$0x1] =	stream.indirect.gather [hbm4b:s3+s9], $0x20, s5, s9, $0xb8;
	[tilespmem:$0x1A400] =	vst v63  }
0x2c: {  	s8 =	simm.s32 $0x280  }
0x2d: {  	[tilespmem:s19], [sflag:$0x1] =	stream.indirect.gather [hbm4b:s3+s9], $0x20, s8, s9, $0xb8;
	[tilespmem:$0x1A400] =	vst v63  }
0x2e: {  	s5 =	simm.s32 $0x300  }
0x2f: {  	[tilespmem:s21], [sflag:$0x1] =	stream.indirect.gather [hbm4b:s3+s9], $0x20, s5, s9, $0xb8;
	[tilespmem:$0x1A400] =	vst v63  }
0x30: {  	s8 =	simm.s32 $0x380  }
0x31: {  	[tilespmem:s23], [sflag:$0x1] =	stream.indirect.gather [hbm4b:s3+s9], $0x20, s8, s9, $0xb8;
	[tilespmem:$0x1A400] =	vst v63  }
0x32: {  	s5 =	simm.s32 $0x400  }
0x33: {  	[tilespmem:s25], [sflag:$0x1] =	stream.indirect.gather [hbm4b:s3+s9], $0x20, s5, s9, $0xb8;
	[tilespmem:$0x1A400] =	vst v63  }
0x34: {  	s8 =	simm.s32 $0x480  }
0x35: {  	[tilespmem:s28], [sflag:$0x1] =	stream.indirect.gather [hbm4b:s3+s9], $0x20, s8, s9, $0xb8;
	[tilespmem:$0x1A400] =	vst v63  }
0x36: {  	s8 =	simm.s32 $0x0  }
.LBB2_2:
0x37: {  	_ =	swait.ge [sflag:s29], $0x1000  }
0x38: {  	[sflag:s29] =	ssyncset.done $0x0  }
0x39: {  	[sflag:s29] =	ssyncadd.s32 $0xFFFFF000  }
0x3a: {  	_ =	swait.ge [sflag:s29], $0x1000  }
0x3b: {  	[sflag:s29] =	ssyncset.done $0x0  }
0x3c: {  	[sflag:s29] =	ssyncadd.s32 $0xFFFFF000  }
0x3d: {  	_ =	swait.ge [sflag:s29], $0x1000  }
0x3e: {  	[sflag:s29] =	ssyncset.done $0x0  }
0x3f: {  	[sflag:s29] =	ssyncadd.s32 $0xFFFFF000  }
0x40: {  	_ =	swait.ge [sflag:s29], $0x1000  }
0x41: {  	[sflag:s29] =	ssyncset.done $0x0  }
0x42: {  	[sflag:s29] =	ssyncadd.s32 $0xFFFFF000  }
0x43: {  	_ =	swait.ge [sflag:s29], $0x1000  }
0x44: {  	[sflag:s29] =	ssyncset.done $0x0  }
0x45: {  	[sflag:s29] =	ssyncadd.s32 $0xFFFFF000  }
0x46: {  	_ =	swait.ge [sflag:s29], $0x1000  }
0x47: {  	[sflag:s29] =	ssyncset.done $0x0  }
0x48: {  	[sflag:s29] =	ssyncadd.s32 $0xFFFFF000  }
0x49: {  	_ =	swait.ge [sflag:s29], $0x1000  }
0x4a: {  	[sflag:s29] =	ssyncset.done $0x0  }
0x4b: {  	[sflag:s29] =	ssyncadd.s32 $0xFFFFF000  }
0x4c: {  	_ =	swait.ge [sflag:s29], $0x1000  }
0x4d: {  	[sflag:s29] =	ssyncset.done $0x0  }
0x4e: {  	[sflag:s29] =	ssyncadd.s32 $0xFFFFF000  }
0x4f: {  	_ =	swait.ge [sflag:s29], $0x1000  }
0x50: {  	[sflag:s29] =	ssyncset.done $0x0  }
0x51: {  	[sflag:s29] =	ssyncadd.s32 $0xFFFFF000  }
0x52: {  	_ =	swait.ge [sflag:s29], $0x1000  }
0x53: {  	p0 =	seq.s32 s8, $0x0;
	[sflag:s29] =	ssyncset.done $0x0  }
0x54: {  	s4 =	sadd.s32 s8, s7;
	s5 =	simm.s32 @!p0 $0x4;
	[sflag:s29] =	ssyncadd.s32 $0xFFFFF000  }
0x55: {  	[hbm4b:s4+s2] =	stream.linear.scatter [tilespmem:s10], [sflag:$0x3], $0xA000, $0x38;
	[tilespmem:$0x1A400] =	vst v63  }
0x56: {  	_ =	swait.ge @!p0 [sflag:s5], $0xA000  }
0x57: {  	s4 =	sshra.s32 s8, $0x2;
	[sflag:s5] =	ssyncset.done @!p0 $0x0  }
0x58: {  	[sflag:s5] =	ssyncadd.s32 @!p0 $0xFFFF6000;
	s5 =	sadd.s32 $0x500, s4  }
0x59: {  	[tilespmem:s30], [sflag:$0x2] =	stream.indirect.gather [hbm4b:s3+s9], $0x20, s5, s9, $0xb8;
	[tilespmem:$0x1A400] =	vst v63  }
0x5a: {  	s5 =	sadd.s32 $0x580, s4  }
0x5b: {  	[tilespmem:s31], [sflag:$0x2] =	stream.indirect.gather [hbm4b:s3+s9], $0x20, s5, s9, $0xb8;
	[tilespmem:$0x1A400] =	vst v63  }
0x5c: {  	s5 =	sadd.s32 $0x600, s4  }
0x5d: {  	[tilespmem:s1], [sflag:$0x2] =	stream.indirect.gather [hbm4b:s3+s9], $0x20, s5, s9, $0xb8;
	[tilespmem:$0x1A400] =	vst v63  }
0x5e: {  	s5 =	sadd.s32 $0x680, s4  }
0x5f: {  	[tilespmem:s0], [sflag:$0x2] =	stream.indirect.gather [hbm4b:s3+s9], $0x20, s5, s9, $0xb8;
	[tilespmem:$0x1A400] =	vst v63  }
0x60: {  	s5 =	sadd.s32 $0x700, s4  }
0x61: {  	[tilespmem:s12], [sflag:$0x2] =	stream.indirect.gather [hbm4b:s3+s9], $0x20, s5, s9, $0xb8;
	[tilespmem:$0x1A400] =	vst v63  }
0x62: {  	s5 =	sadd.s32 $0x780, s4  }
0x63: {  	[tilespmem:s14], [sflag:$0x2] =	stream.indirect.gather [hbm4b:s3+s9], $0x20, s5, s9, $0xb8;
	[tilespmem:$0x1A400] =	vst v63  }
0x64: {  	s5 =	sadd.s32 $0x800, s4  }
0x65: {  	[tilespmem:s16], [sflag:$0x2] =	stream.indirect.gather [hbm4b:s3+s9], $0x20, s5, s9, $0xb8;
	[tilespmem:$0x1A400] =	vst v63  }
0x66: {  	s5 =	sadd.s32 $0x880, s4  }
0x67: {  	[tilespmem:s18], [sflag:$0x2] =	stream.indirect.gather [hbm4b:s3+s9], $0x20, s5, s9, $0xb8;
	[tilespmem:$0x1A400] =	vst v63  }
0x68: {  	s5 =	sadd.s32 $0x900, s4  }
0x69: {  	[tilespmem:s20], [sflag:$0x2] =	stream.indirect.gather [hbm4b:s3+s9], $0x20, s5, s9, $0xb8;
	[tilespmem:$0x1A400] =	vst v63  }
0x6a: {  	s5 =	sadd.s32 $0x980, s4  }
0x6b: {  	[tilespmem:s22], [sflag:$0x2] =	stream.indirect.gather [hbm4b:s3+s9], $0x20, s5, s9, $0xb8;
	[tilespmem:$0x1A400] =	vst v63  }
0x6c: {  	_ =	swait.ge [sflag:s24], $0x1000  }
0x6d: {  	[sflag:s24] =	ssyncset.done $0x0  }
0x6e: {  	[sflag:s24] =	ssyncadd.s32 $0xFFFFF000  }
0x6f: {  	_ =	swait.ge [sflag:s24], $0x1000  }
0x70: {  	[sflag:s24] =	ssyncset.done $0x0  }
0x71: {  	[sflag:s24] =	ssyncadd.s32 $0xFFFFF000  }
0x72: {  	_ =	swait.ge [sflag:s24], $0x1000  }
0x73: {  	[sflag:s24] =	ssyncset.done $0x0  }
0x74: {  	[sflag:s24] =	ssyncadd.s32 $0xFFFFF000  }
0x75: {  	_ =	swait.ge [sflag:s24], $0x1000  }
0x76: {  	[sflag:s24] =	ssyncset.done $0x0  }
0x77: {  	[sflag:s24] =	ssyncadd.s32 $0xFFFFF000  }
0x78: {  	_ =	swait.ge [sflag:s24], $0x1000  }
0x79: {  	[sflag:s24] =	ssyncset.done $0x0  }
0x7a: {  	[sflag:s24] =	ssyncadd.s32 $0xFFFFF000  }
0x7b: {  	_ =	swait.ge [sflag:s24], $0x1000  }
0x7c: {  	[sflag:s24] =	ssyncset.done $0x0  }
0x7d: {  	[sflag:s24] =	ssyncadd.s32 $0xFFFFF000  }
0x7e: {  	_ =	swait.ge [sflag:s24], $0x1000  }
0x7f: {  	[sflag:s24] =	ssyncset.done $0x0  }
0x80: {  	[sflag:s24] =	ssyncadd.s32 $0xFFFFF000  }
0x81: {  	_ =	swait.ge [sflag:s24], $0x1000  }
0x82: {  	[sflag:s24] =	ssyncset.done $0x0  }
0x83: {  	[sflag:s24] =	ssyncadd.s32 $0xFFFFF000  }
0x84: {  	_ =	swait.ge [sflag:s24], $0x1000  }
0x85: {  	[sflag:s24] =	ssyncset.done $0x0  }
0x86: {  	[sflag:s24] =	ssyncadd.s32 $0xFFFFF000  }
0x87: {  	_ =	swait.ge [sflag:s24], $0x1000  }
0x88: {  	p0 =	seq.s32 s8, $0x16800;
	[sflag:s24] =	ssyncset.done $0x0  }
.Ltmp2:
0x89: {  	s5 =	sadd.s32 s8, s6;
	[sflag:s24] =	ssyncadd.s32 $0xFFFFF000;
	(pc) =	sbr.rel @p0 .LBB2_4-.Ltmp2, $4  }
0x8a: {  	[hbm4b:s5+s2] =	stream.linear.scatter [tilespmem:s30], [sflag:$0x4], $0xA000, $0x38;
	[tilespmem:$0x1A400] =	vst v63  }
0x8b: {  	_ =	swait.ge [sflag:s26], $0xA000  }
0x8c: {  	[sflag:s26] =	ssyncset.done $0x0  }
0x8d: {  	[sflag:s26] =	ssyncadd.s32 $0xFFFF6000  }
0x8e: {  	s5 =	sadd.s32 $0xA00, s4  }
0x8f: {  	[tilespmem:s10], [sflag:$0x1] =	stream.indirect.gather [hbm4b:s3+s9], $0x20, s5, s9, $0xb8;
	[tilespmem:$0x1A400] =	vst v63  }
0x90: {  	s5 =	sadd.s32 $0xA80, s4  }
0x91: {  	[tilespmem:s11], [sflag:$0x1] =	stream.indirect.gather [hbm4b:s3+s9], $0x20, s5, s9, $0xb8;
	[tilespmem:$0x1A400] =	vst v63  }
0x92: {  	s5 =	sadd.s32 $0xB00, s4  }
0x93: {  	[tilespmem:s13], [sflag:$0x1] =	stream.indirect.gather [hbm4b:s3+s9], $0x20, s5, s9, $0xb8;
	[tilespmem:$0x1A400] =	vst v63  }
0x94: {  	s5 =	sadd.s32 $0xB80, s4  }
0x95: {  	[tilespmem:s15], [sflag:$0x1] =	stream.indirect.gather [hbm4b:s3+s9], $0x20, s5, s9, $0xb8;
	[tilespmem:$0x1A400] =	vst v63  }
0x96: {  	s5 =	sadd.s32 $0xC00, s4  }
0x97: {  	[tilespmem:s17], [sflag:$0x1] =	stream.indirect.gather [hbm4b:s3+s9], $0x20, s5, s9, $0xb8;
	[tilespmem:$0x1A400] =	vst v63  }
0x98: {  	s5 =	sadd.s32 $0xC80, s4  }
0x99: {  	[tilespmem:s19], [sflag:$0x1] =	stream.indirect.gather [hbm4b:s3+s9], $0x20, s5, s9, $0xb8;
	[tilespmem:$0x1A400] =	vst v63  }
0x9a: {  	s5 =	sadd.s32 $0xD00, s4  }
0x9b: {  	[tilespmem:s21], [sflag:$0x1] =	stream.indirect.gather [hbm4b:s3+s9], $0x20, s5, s9, $0xb8;
	[tilespmem:$0x1A400] =	vst v63  }
0x9c: {  	s5 =	sadd.s32 $0xD80, s4  }
0x9d: {  	[tilespmem:s23], [sflag:$0x1] =	stream.indirect.gather [hbm4b:s3+s9], $0x20, s5, s9, $0xb8;
	[tilespmem:$0x1A400] =	vst v63  }
.Ltmp3:
0x9e: {  	_ = 	snop;
	(pc) =	sbr.rel .LBB2_2-.Ltmp3, $4  }
0x9f: {  	s5 =	sadd.s32 $0xE00, s4  }
0xa0: {  	[tilespmem:s25], [sflag:$0x1] =	stream.indirect.gather [hbm4b:s3+s9], $0x20, s5, s9, $0xb8;
	[tilespmem:$0x1A400] =	vst v63  }
0xa1: {  	s8 =	sadd.s32 $0x2800, s8;
	s5 =	sadd.s32 $0xE80, s4  }
0xa2: {  	[tilespmem:s28], [sflag:$0x1] =	stream.indirect.gather [hbm4b:s3+s9], $0x20, s5, s9, $0xb8;
	[tilespmem:$0x1A400] =	vst v63  }
.LBB2_5:
0xa3: {  	_ =	sfence.sel $0x180000  }
0xa4: {  	[bflag:$0x0] =	sbarrier.arrive $0xFFFF  }
0xa5: {  	_ =	strace $0x90000047  }
0xa6: {  	s0 =	stileid.u32;
	[bflag:$0x2] =	sbarrier.arrive $0xFFFF  }
0xa7: {  	p0 =	sne.s32 s0, $0x0;
	s0 =	rddreg [dreg:$0x2]  }
0xa8: {  	s0 =	sadd.s32 @!p0 $0x100000, s0  }
0xa9: {  	[sflag:s0] =	ssyncadd.tile.s32 @!p0 $0x1;
	_ =	shalt  }
.Lfunc_end2:
_tile_overlayer_lowered:
.L_overlay_start_2:
0xaa: {  	(tag) =	ssettag $0x2  }
0xab: {  	s0 =	rddreg [dreg:$0x0];
	s2 =	stileid.u32  }
0xac: {  	s1 =	rddreg [dreg:$0x1];
	p0 =	sne.s32 s2, $0x0  }
0xad: {  	s3 =	rddreg [dreg:$0x2];
	[bflag:$0x3] =	sbarrier.arrive $0xFFFF;
	s2 =	simm.s32 @!p0 $0x1C05  }
0xae: {  	[timem:s3], [sflag:s2] =	dma.local @!p0 [hbm:s0], s1  }
0xaf: {  	s0 =	simm.s32 @!p0 $0x5  }
0xb0: {  	_ =	swait.ge @!p0 [sflag:s0], s1  }
0xb1: {  	s1 =	ssub.s32 @!p0 $0x0, s1;
	[sflag:s0] =	ssyncset.done @!p0 $0x0  }
0xb2: {  	[sflag:s0] =	ssyncadd.s32 @!p0 s1  }
0xb3: {  	[bflag:$0x3] =	sbarrier.arrive $0xFFFF  }
0xb4: {  	_ =	shalt  }

// kernel: sparse-core-data-format-call.1.cloned.1.call-start
scs
called_computation.1_lowered:
.L_overlay_start_0:
0x0: {  	s2 =	sld [smem:$0x3FD9]  }
0x1: {  	s3 =	sld [smem:$0x3FFE];
	_ =	sdelay $0x1  }
0x2: {  	s1 =	srdreg.scid  }
0x3: {  	s0 =	sand.u32 $0x1, s1  }
0x4: {  	s18 =	sshll.u32 s0, $0xA;
	s2 =	sadd.s32 s3, s2  }
0x5: {  	s2 =	sadd.s32 s2, s18  }
0x6: {  	[smem:$0x3FC6] =	sst s2  }
0x7: {  	_ = 	snop  }
0x8: {  	s2 =	sld [smem:$0x3FD0];
	(tm) =	ssettm $0x1  }
0x9: {  	s19 =	sld [smem:$0x3FFB];
	_ =	sdelay $0x3  }
0xa: {  	_ =	strace s19  }
0xb: {  	s3 =	sld [smem:$0x3FFC];
	_ =	sdelay $0x3  }
0xc: {  	_ =	strace s3  }
0xd: {  	s3 =	sld [smem:$0x3FFD];
	_ =	sdelay $0x3  }
0xe: {  	_ =	strace s3  }
0xf: {  	_ =	strace $0x8FFFFFFF  }
0x10: {  	s20 =	sld [smem:$0x3FDB];
	_ =	sdelay $0x1  }
0x11: {  	s4 =	simm.s32 $_scs_section_size  }
0x12: {  	s5 =	simm.s32 $_size__tile_overlayer_lowered;
	s6 =	simm.s32 $_tile_overlayer_lowered  }
0x13: {  	s23 =	simm.s32 $0x1BFF;
	s22 =	sshll.u32 s6, $0x1;
	s3 =	sadd.s32 s4, s20  }
0x14: {  	s7 =	simm.s32 $0x0;
	s21 =	sshll.u32 s5, $0x1;
	s5 =	sadd.s32 s22, s3  }
0x15: {  	[timem:s7], [sflag:s23] =	dma.local [hbm:s5], s21  }
0x16: {  	_ =	swait.ge [sflag:s23], s21  }
0x17: {  	s4 =	ssub.s32 $0x0, s21;
	[sflag:s23] =	ssyncset.done $0x0  }
0x18: {  	[sflag:s23] =	ssyncadd.s32 s4;
	_ =	sdelay $0x1  }
0x19: {  	s24 =	simm.s32 $0x1B8B  }
0x1a: {  	_ =	swait.ge [sflag:s24], $0x1  }
0x1b: {  	[sflag:s24] =	ssyncset.done $0x0  }
0x1c: {  	s26 =	simm.s32 $0x1B8E;
	s25 =	sld [smem:$0x3FFE];
	[sflag:s24] =	ssyncadd.s32 $0xFFFFFFFF  }
0x1d: {  	s27 =	simm.s32 $execute0_lowered;
	[smem:$0x3FD2] =	sst s26  }
0x1e: {  	s5 =	sshll.u32 s27, $0x1;
	_ =	strace $0x80000049;
	[dreg:$0x1] =	wrdreg $0xFFFFFFFF  }
0x1f: {  	s28 =	simm.s32 $_size_execute0_lowered;
	s3 =	sadd.s32 s3, s5;
	[dreg:$0x0] =	wrdreg $0x0  }
0x20: {  	s5 =	sshll.u32 s28, $0x1;
	[dreg:$0x2] =	wrdreg s3  }
0x21: {  	[dreg:$0x3] =	wrdreg s5  }
0x22: {  	[dreg:$0x4] =	wrdreg $0xC0  }
0x23: {  	_ =	task [dreg:s7], $0x5FFFF  }
0x24: {  	[dreg:$0x1] =	wrdreg $0xFFFFFFFF  }
0x25: {  	[dreg:$0x0] =	wrdreg $0x60  }
0x26: {  	[dreg:$0x2] =	wrdreg s25  }
0x27: {  	[dreg:$0x3] =	wrdreg s2  }
0x28: {  	[dreg:$0x4] =	wrdreg $0x9  }
0x29: {  	_ =	task.clear_ibuf [dreg:s7], $0x5FFFF;
	_ =	strace $0x90000049  }
0x2a: {  	s29 =	simm.s32 $0x9;
	_ =	strace $0x8000004B  }
0x2b: {  	_ =	swait.ge [sflag:s29], $0x1  }
0x2c: {  	[sflag:s29] =	ssyncadd.s32 $0xFFFFFFFF  }
0x2d: {  	_ =	strace $0x9000004B  }
0x2e: {  	_ =	sfence  }
0x2f: {  	s30 =	sld [smem:$0x0];
	_ =	sdelay $0x2  }
0x30: {  	s31 =	sshll.u32 s1, $0xD;
	s1 =	sshrl.u32 s1, $0x2  }
0x31: {  	s3 =	sand.u32 $0x4000, s31;
	s1 =	sadd.s32 s1, s30  }
0x32: {  	s0 =	sor.u32 s3, s0;
	s1 =	sshll.u32 s1, $0x11  }
0x33: {  	s0 =	sor.u32 s1, s0  }
0x34: {  	s0 =	sadd.s32 $0x8F2B, s0  }
0x35: {  	[sflag:s0] =	ssyncadd.remote.s32 $0x1  }
0x36: {  	_ =	sfence.sel $0xFFFF  }
0x37: {  	[dreg:$0x0] =	wrdreg $0xFFFFFFFF;
	(pc) =	sbr.abs _section_cstart, $3  }
0x38: {  	[dreg:$0x1] =	wrdreg $0xFFFFFFFF  }
0x39: {  	_ =	task.clear_ibuf [dreg:s7], $0x2FFFF;
	_ =	strace $0x9FFFFFFF  }
0x3a: {  	(tm) =	ssettm $0x7FFFFFFF  }
0x3b: {  	_ =	shalt  }
tec
execute0_lowered:
.L_overlay_start_1:
0x0: {  	(tag) =	ssettag $0x1  }
0x1: {  	s1 =	rddreg [dreg:$0x0]  }
0x2: {  	s2 =	rddreg [dreg:$0x1]  }
0x3: {  	s0 =	rddreg [dreg:$0x2];
	_ =	strace $0x8000004A;
	s4 =	srdreg.scid  }
0x4: {  	s6 =	simm.s32 $0x2;
	s11 =	simm.s32 $0x0;
	p0 =	por $0x0, $0x0  }
.Ltmp0:
0x5: {  	s7 =	simm.s32 $0xC8000;
	s12 =	simm.s32 $0x0;
	(pc) =	sbr.rel .LBB1_1-.Ltmp0, $4  }
0x6: {  	s9 =	simm.s32 $0x0;
	s3 =	sadd.s32 $0xE00, s1;
	s5 =	sshll.u32 s4, $0x4  }
0x7: {  	s1 =	stileid.u32;
	s4 =	simm.s32 $0x1;
	s5 =	sand.u32 $0x10, s5  }
0x8: {  	s8 =	simm.s32 $0x0;
	[sflag:s4] =	ssyncpa.u1 $0x0;
	s5 =	sor.u32 s1, s5  }
0x9: {  	[sflag:s6] =	ssyncpa.u1 $0x0;
	s6 =	simm.s32 $0x200;
	s10 =	smov.u32 s5  }
.LBB1_7:
0xa: {  	s13 =	sadd.s32 $0x4, s9  }
0xb: {  	s11 =	sadd.s32 $0x20, s10;
	s15 =	smov.u32 s10;
	p2 =	sgt.s32 s13, $0xC7  }
0xc: {  	p1 =	slt.u32 s8, $0x2;
	s15 =	smov.u32 @p2 s11  }
0xd: {  	s8 =	sadd.s32 $0x1, s8;
	s13 =	simm.s32 @p2 $0x0;
	p2 =	sgt.s32 s15, $0x1F  }
0xe: {  	s15 =	smov.u32 @p2 s5;
	p2 =	sne.s32 s8, $0x34  }
.Ltmp1:
0xf: {  	_ = 	snop;
	(pc) =	sbr.rel @!p2 .LBB1_8-.Ltmp1, $4  }
0x10: {  	s14 =	simm.s32 @!p1 $0x2  }
0x11: {  	s12 =	smov.u32 s10;
	_ =	swait.ge @!p1 [sflag:s14], $0x4000  }
0x12: {  	p0 =	por !p0, !p0;
	s11 =	smov.u32 s9;
	[sflag:s14] =	ssyncset.done @!p1 $0x0  }
0x13: {  	s9 =	smov.u32 s13;
	[sflag:s14] =	ssyncadd.s32 @!p1 $0xFFFFC000;
	s10 =	smov.u32 s15  }
.LBB1_1:
0x14: {  	p1 =	sgt.u32 s8, $0x31  }
0x15: {  	s14 =	smul.u32 @!p1 $0x64000, s10  }
0x16: {  	s13 =	sxor.u32 @!p1 $0xFFFFFFFF, s8;
	s15 =	sshll.u32 @!p1 s9, $0xB  }
0x17: {  	s16 =	simm.s32 @!p1 $0x80;
	s13 =	sshll.u32 @!p1 s13, $0xE;
	s14 =	sadd.s32 @!p1 s3, s14  }
0x18: {  	s13 =	sand.u32 @!p1 $0x4000, s13;
	s14 =	sadd.s32 @!p1 s15, s14;
	s15 =	simm.s32 @!p1 $0x20  }
0x19: {  	[tilespmem:s13], [sflag:$0x1] =	stream.strided.gather @!p1 [hbm4b:s14+s15], $0x4000, s16, s15, $0x38;
	[tilespmem:$0x10100] =	vst v63  }
0x1a: {  	p1 =	seq.s32 s8, $0x0  }
0x1b: {  	p2 =	seq.s32 @!p1 s8, $0x33  }
0x1c: {  	p1 =	por p1, p2  }
.Ltmp2:
0x1d: {  	_ = 	snop;
	(pc) =	sbr.rel @p1 .LBB1_7-.Ltmp2, $1  }
0x1e: {  	_ =	sdelay $0x3  }
0x1f: {  	s13 =	simm.s32 $0x1;
	s15 =	sand.u32 $0x1, s8  }
0x20: {  	_ =	swait.ge [sflag:s4], $0x4000;
	s13 =	simm.s32 @!p0 $0x0;
	s16 =	smul.u32 $0x10200, s15  }
0x21: {  	[sflag:s4] =	ssyncset.done $0x0;
	s14 =	smul.u32 $0x10200, s13  }
0x22: {  	s13 =	sshll.u32 s13, $0xE;
	[sflag:s4] =	ssyncadd.s32 $0xFFFFC000  }
0x23: {  	s15 =	sor.u32 $0x10, s13;
	s31 =	sshrl.u32 s16, $0x2;
	s14 =	sshrl.u32 s14, $0x2  }
0x24: {  	s16 =	simm.s32 $0x0;
	s13 =	sor.u32 $0x8000, s31;
	s14 =	sor.u32 $0x8000, s14  }
.LBB1_3:
0x25: {  	v1 =	vld [tilespmem:s15+$0x0]  }
0x26: {  	v0 =	vld [tilespmem:s15+$0xFFFFFFF0];
	_ =	sdelay $0x2  }
0x27: {  	s19 =	sadd.s32 $0x0, s14  }
0x28: {  	s17 =	simm.s32 $0x4;
	s18 =	sadd.s32 $0x20, s15;
	[tilespmem:s19+$0x2040 ss:$0x204] =	vst.msk $0xffff, v1  }
.LBB1_4:
0x29: {  	v1 =	vld [tilespmem:s18+$0x0];
	p1 =	sne.s32 s17, $0x1FC;
	[tilespmem:s19+$0x0 ss:$0x204] =	vst.msk $0xffff, v0;
	s19 =	smov.u32 s17;
	s17 =	sadd.s32 $0x4, s17  }
.Ltmp3:
0x2a: {  	v0 =	vld [tilespmem:s18+$0xFFFFFFF0];
	(pc) =	sbr.rel @p1 .LBB1_4-.Ltmp3, $4  }
0x2b: {  	_ = 	snop  }
0x2c: {  	s19 =	sshra.s32 s19, $0x2  }
0x2d: {  	s19 =	sadd.s32 s19, s14  }
0x2e: {  	s18 =	sadd.s32 $0x20, s18;
	[tilespmem:s19+$0x2040 ss:$0x204] =	vst.msk $0xffff, v1  }
0x2f: {  	s16 =	sadd.s32 $0x1, s16  }
0x30: {  	p1 =	sne.s32 s16, $0x4  }
.Ltmp4:
0x31: {  	_ = 	snop;
	(pc) =	sbr.rel @p1 .LBB1_3-.Ltmp4, $2  }
0x32: {  	_ =	sdelay $0x2  }
0x33: {  	[tilespmem:s19+$0x0 ss:$0x204] =	vst.msk $0xffff, v0;
	s14 =	sadd.s32 $0x81, s14;
	s15 =	sadd.s32 $0x1000, s15  }
0x34: {  	s11 =	sand.u32 $0x1FFFFFF, s11  }
0x35: {  	s14 =	smulhi.u32 $0x147AE15, s11  }
0x36: {  	s12 =	smul.u32 $0xC80, s12  }
0x37: {  	s14 =	smul.u32 $0xC8, s14  }
.Ltmp5:
0x38: {  	_ = 	snop;
	(pc) =	sbr.rel .LBB1_7-.Ltmp5, $4  }
0x39: {  	s11 =	ssub.s32 s11, s14  }
0x3a: {  	s12 =	sadd.s32 s2, s12;
	s11 =	sshll.u32 s11, $0x4  }
0x3b: {  	s11 =	sadd.s32 s11, s12  }
0x3c: {  	[hbm4b:s11+s6] =	stream.strided.scatter [tilespmem:s13], [sflag:$0x2], $0x4000, s7, s6, $0x20;
	[tilespmem:$0x10100] =	vst v63  }
.LBB1_8:
0x3d: {  	_ =	sfence.sel $0x180000  }
0x3e: {  	s2 =	simm.s32 $0x1;
	[bflag:$0x0] =	sbarrier.arrive $0xFFFF  }
0x3f: {  	s31 =	simm.s32 $0x2;
	[sflag:s2] =	ssyncpa.u1 $0x1  }
0x40: {  	[sflag:s31] =	ssyncpa.u1 $0x1  }
0x41: {  	p0 =	sne.s32 s1, $0x0;
	_ =	strace $0x9000004A  }
0x42: {  	s0 =	sadd.s32 @!p0 $0x100000, s0;
	[bflag:$0x2] =	sbarrier.arrive $0xFFFF  }
0x43: {  	[sflag:s0] =	ssyncadd.tile.s32 @!p0 $0x1;
	_ =	shalt  }
.Lfunc_end1:
_tile_overlayer_lowered:
.L_overlay_start_2:
0x44: {  	(tag) =	ssettag $0x2  }
0x45: {  	s0 =	rddreg [dreg:$0x0];
	s2 =	stileid.u32  }
0x46: {  	s1 =	rddreg [dreg:$0x1];
	p0 =	sne.s32 s2, $0x0  }
0x47: {  	s3 =	rddreg [dreg:$0x2];
	[bflag:$0x3] =	sbarrier.arrive $0xFFFF;
	s2 =	simm.s32 @!p0 $0x1C01  }
0x48: {  	[timem:s3], [sflag:s2] =	dma.local @!p0 [hbm:s0], s1  }
0x49: {  	s0 =	simm.s32 @!p0 $0x1  }
0x4a: {  	_ =	swait.ge @!p0 [sflag:s0], s1  }
0x4b: {  	s1 =	ssub.s32 @!p0 $0x0, s1;
	[sflag:s0] =	ssyncset.done @!p0 $0x0  }
0x4c: {  	[sflag:s0] =	ssyncadd.s32 @!p0 s1  }
0x4d: {  	[bflag:$0x3] =	sbarrier.arrive $0xFFFF  }
0x4e: {  	_ =	shalt  }

// kernel: sparse-core-data-format-call.cloned.1.call-start
scs
called_computation_lowered:
.L_overlay_start_0:
0x0: {  	s2 =	sld [smem:$0x3FD9]  }
0x1: {  	s3 =	sld [smem:$0x3FFE];
	_ =	sdelay $0x1  }
0x2: {  	s1 =	srdreg.scid  }
0x3: {  	s0 =	sand.u32 $0x1, s1  }
0x4: {  	s18 =	sshll.u32 s0, $0xA;
	s2 =	sadd.s32 s3, s2  }
0x5: {  	s2 =	sadd.s32 s2, s18  }
0x6: {  	[smem:$0x3FC6] =	sst s2  }
0x7: {  	_ = 	snop  }
0x8: {  	s2 =	sld [smem:$0x3FD0];
	(tm) =	ssettm $0x1  }
0x9: {  	s19 =	sld [smem:$0x3FFB];
	_ =	sdelay $0x3  }
0xa: {  	_ =	strace s19  }
0xb: {  	s3 =	sld [smem:$0x3FFC];
	_ =	sdelay $0x3  }
0xc: {  	_ =	strace s3  }
0xd: {  	s3 =	sld [smem:$0x3FFD];
	_ =	sdelay $0x3  }
0xe: {  	_ =	strace s3  }
0xf: {  	_ =	strace $0x8FFFFFFF  }
0x10: {  	s20 =	sld [smem:$0x3FDB];
	_ =	sdelay $0x1  }
0x11: {  	s4 =	simm.s32 $_scs_section_size  }
0x12: {  	s5 =	simm.s32 $_size__tile_overlayer_lowered;
	s6 =	simm.s32 $_tile_overlayer_lowered  }
0x13: {  	s23 =	simm.s32 $0x1BFF;
	s22 =	sshll.u32 s6, $0x1;
	s3 =	sadd.s32 s4, s20  }
0x14: {  	s7 =	simm.s32 $0x0;
	s21 =	sshll.u32 s5, $0x1;
	s5 =	sadd.s32 s22, s3  }
0x15: {  	[timem:s7], [sflag:s23] =	dma.local [hbm:s5], s21  }
0x16: {  	_ =	swait.ge [sflag:s23], s21  }
0x17: {  	s4 =	ssub.s32 $0x0, s21;
	[sflag:s23] =	ssyncset.done $0x0  }
0x18: {  	[sflag:s23] =	ssyncadd.s32 s4;
	_ =	sdelay $0x1  }
0x19: {  	s24 =	simm.s32 $0x1B8B  }
0x1a: {  	_ =	swait.ge [sflag:s24], $0x1  }
0x1b: {  	[sflag:s24] =	ssyncset.done $0x0  }
0x1c: {  	s26 =	simm.s32 $0x1B8E;
	s25 =	sld [smem:$0x3FFE];
	[sflag:s24] =	ssyncadd.s32 $0xFFFFFFFF  }
0x1d: {  	s27 =	simm.s32 $execute0_lowered;
	[smem:$0x3FD2] =	sst s26  }
0x1e: {  	s5 =	sshll.u32 s27, $0x1;
	_ =	strace $0x8000004C;
	[dreg:$0x1] =	wrdreg $0xFFFFFFFF  }
0x1f: {  	s28 =	simm.s32 $_size_execute0_lowered;
	s3 =	sadd.s32 s3, s5;
	[dreg:$0x0] =	wrdreg $0x0  }
0x20: {  	s5 =	sshll.u32 s28, $0x1;
	[dreg:$0x2] =	wrdreg s3  }
0x21: {  	[dreg:$0x3] =	wrdreg s5  }
0x22: {  	[dreg:$0x4] =	wrdreg $0xC0  }
0x23: {  	_ =	task [dreg:s7], $0x5FFFF  }
0x24: {  	[dreg:$0x1] =	wrdreg $0xFFFFFFFF  }
0x25: {  	[dreg:$0x0] =	wrdreg $0x60  }
0x26: {  	[dreg:$0x2] =	wrdreg s25  }
0x27: {  	[dreg:$0x3] =	wrdreg s2  }
0x28: {  	[dreg:$0x4] =	wrdreg $0x9  }
0x29: {  	_ =	task.clear_ibuf [dreg:s7], $0x5FFFF;
	_ =	strace $0x9000004C  }
0x2a: {  	s29 =	simm.s32 $0x9;
	_ =	strace $0x8000004E  }
0x2b: {  	_ =	swait.ge [sflag:s29], $0x1  }
0x2c: {  	[sflag:s29] =	ssyncadd.s32 $0xFFFFFFFF  }
0x2d: {  	_ =	strace $0x9000004E  }
0x2e: {  	_ =	sfence  }
0x2f: {  	s30 =	sld [smem:$0x0];
	_ =	sdelay $0x2  }
0x30: {  	s31 =	sshll.u32 s1, $0xD;
	s1 =	sshrl.u32 s1, $0x2  }
0x31: {  	s3 =	sand.u32 $0x4000, s31;
	s1 =	sadd.s32 s1, s30  }
0x32: {  	s0 =	sor.u32 s3, s0;
	s1 =	sshll.u32 s1, $0x11  }
0x33: {  	s0 =	sor.u32 s1, s0  }
0x34: {  	s0 =	sadd.s32 $0x8F2B, s0  }
0x35: {  	[sflag:s0] =	ssyncadd.remote.s32 $0x1  }
0x36: {  	_ =	sfence.sel $0xFFFF  }
0x37: {  	[dreg:$0x0] =	wrdreg $0xFFFFFFFF;
	(pc) =	sbr.abs _section_cstart, $3  }
0x38: {  	[dreg:$0x1] =	wrdreg $0xFFFFFFFF  }
0x39: {  	_ =	task.clear_ibuf [dreg:s7], $0x2FFFF;
	_ =	strace $0x9FFFFFFF  }
0x3a: {  	(tm) =	ssettm $0x7FFFFFFF  }
0x3b: {  	_ =	shalt  }
tec
execute0_lowered:
.L_overlay_start_1:
0x0: {  	(tag) =	ssettag $0x1  }
0x1: {  	s8 =	rddreg [dreg:$0x0]  }
0x2: {  	s2 =	rddreg [dreg:$0x1];
	s1 =	stileid.u32  }
0x3: {  	s4 =	srdreg.scid;
	s0 =	rddreg [dreg:$0x2];
	_ =	strace $0x8000004D  }
0x4: {  	s9 =	simm.s32 $0x1;
	s31 =	simm.s32 $0x2;
	s16 =	simm.s32 $0x0  }
0x5: {  	s17 =	simm.s32 $0x0;
	s11 =	simm.s32 $0x0;
	s12 =	simm.s32 $0x0  }
0x6: {  	s15 =	simm.s32 $0x0;
	s3 =	sshll.u32 s1, $0x1;
	s4 =	sshll.u32 s4, $0x7  }
0x7: {  	s4 =	sand.u32 $0x80, s4;
	s5 =	ssub.s32 $0x20, s3;
	s14 =	smov.u32 s3  }
0x8: {  	s6 =	sshrl.u32 s5, $0x5;
	s5 =	sand.u32 $0x1E, s5;
	s7 =	ssub.s32 $0x4000, s4  }
0x9: {  	p0 =	sne.s32 s5, $0x0;
	s30 =	sshrl.u32 s7, $0x7;
	s7 =	sshrl.u32 s7, $0x8  }
.Ltmp0:
0xa: {  	s9 =	simm.s32 @!p0 $0x0;
	s10 =	sand.u32 $0x1, s30;
	(pc) =	sbr.rel .LBB1_1-.Ltmp0, $4  }
0xb: {  	s5 =	simm.s32 $0x1;
	s6 =	sadd.s32 s9, s6;
	s7 =	sadd.s32 s7, s10  }
0xc: {  	s13 =	smov.u32 s4;
	[sflag:s5] =	ssyncpa.u1 $0x0;
	s6 =	smul.u32 s6, s7  }
0xd: {  	p0 =	por $0x0, $0x0;
	[sflag:s31] =	ssyncpa.u1 $0x0;
	s10 =	simm.s32 $0x80000  }
0xe: {  	s7 =	sadd.s32 $0xE00, s8;
	s8 =	sadd.s32 $0x40E00, s8;
	s9 =	sadd.s32 $0x1, s6  }
.LBB1_7:
0xf: {  	p1 =	slt.u32 s15, $0x2  }
0x10: {  	s19 =	smov.u32 s17;
	p2 =	sgt.s32 @!p1 s17, $0x1E;
	s18 =	sshra.s32 @!p1 s17, $0x1F  }
0x11: {  	p3 =	sgt.s32 @!p1 s16, $0x3F80;
	s20 =	sshra.s32 @!p1 s16, $0x1F;
	p2 =	por !p2, p1  }
0x12: {  	s17 =	sand.u32 @!p1 s18, s17;
	p3 =	por !p3, p1;
	s18 =	smov.u32 s16  }
0x13: {  	s16 =	sand.u32 @!p1 s20, s16;
	s19 =	simm.s32 @p2 $0x1E;
	s18 =	simm.s32 @p3 $0x3F80  }
0x14: {  	s20 =	smov.u32 s14;
	s17 =	ssub.s32 @!p1 s19, s17;
	s16 =	ssub.s32 @!p1 s18, s16  }
0x15: {  	s18 =	sadd.s32 @!p1 $0xFFFFFFE2, s17;
	s17 =	ssub.s32 @!p1 $0x20, s17;
	s19 =	sadd.s32 @!p1 $0xFFFFC080, s16  }
0x16: {  	p2 =	sgt.s32 @!p1 s18, $0x1;
	s17 =	smul.u32 @!p1 $0x32, s17;
	p3 =	sgt.s32 @!p1 s19, $0x7F  }
0x17: {  	s16 =	ssub.s32 @!p1 $0x4000, s16;
	p2 =	por !p2, p1;
	p3 =	por !p3, p1  }
0x18: {  	s18 =	sadd.s32 $0x100, s13;
	s17 =	simm.s32 @!p2 $0x0;
	s16 =	simm.s32 @!p3 $0x0  }
0x19: {  	p2 =	sgt.s32 s18, $0x3FFF;
	s16 =	smul.u32 @!p1 s16, s17;
	s17 =	sadd.s32 $0x20, s14  }
0x1a: {  	s20 =	smov.u32 @p2 s17  }
0x1b: {  	s18 =	smov.u32 @p2 s4;
	p2 =	sgt.s32 s20, $0x1F  }
0x1c: {  	s20 =	smov.u32 @p2 s3;
	p2 =	sne.s32 s15, s9  }
.Ltmp1:
0x1d: {  	p0 =	por !p0, !p0;
	s19 =	simm.s32 @!p1 $0x2;
	(pc) =	sbr.rel @!p2 .LBB1_8-.Ltmp1, $4  }
0x1e: {  	s17 =	smov.u32 s12;
	s12 =	smov.u32 s14;
	s16 =	sand.u32 @!p1 $0x3FFFFFFE, s16  }
0x1f: {  	_ =	swait.ge @!p1 [sflag:s19], s16;
	s21 =	ssub.s32 @!p1 $0x0, s16;
	s16 =	smov.u32 s11  }
0x20: {  	s15 =	sadd.s32 $0x1, s15;
	s11 =	smov.u32 s13;
	[sflag:s19] =	ssyncset.done @!p1 $0x0  }
0x21: {  	s13 =	smov.u32 s18;
	s14 =	smov.u32 s20;
	[sflag:s19] =	ssyncadd.s32 @!p1 s21  }
.LBB1_1:
0x22: {  	p1 =	sge.u32 s15, s6  }
0x23: {  	s18 =	sxor.u32 @!p1 $0xFFFFFFFF, s15;
	s19 =	sshll.u32 @!p1 s14, $0x12  }
0x24: {  	s20 =	sshll.u32 @!p1 s13, $0x4;
	s22 =	simm.s32 @!p1 $0x40;
	s23 =	simm.s32 @!p1 $0x80  }
0x25: {  	s18 =	sshll.u32 @!p1 s18, $0xE;
	s20 =	sand.u32 @!p1 $0x3FFF0, s20;
	s21 =	sadd.s32 @!p1 s7, s19  }
0x26: {  	s19 =	sadd.s32 @!p1 s19, s8;
	s18 =	sand.u32 @!p1 $0x4000, s18;
	s21 =	sadd.s32 @!p1 s20, s21  }
0x27: {  	[tilespmem:s18], [sflag:$0x1] =	stream.strided.gather @!p1 [hbm4b:s21+s22], $0x2000, s23, s22, $0x38;
	[tilespmem:$0x10100] =	vst v63  }
0x28: {  	s31 =	sadd.s32 $0xFFFFFFFF, s15;
	s19 =	sadd.s32 @!p1 s20, s19;
	s18 =	sor.u32 @!p1 $0x2000, s18  }
0x29: {  	[tilespmem:s18], [sflag:$0x1] =	stream.strided.gather @!p1 [hbm4b:s19+s22], $0x2000, s23, s22, $0x38;
	[tilespmem:$0x10100] =	vst v63  }
0x2a: {  	p1 =	sge.u32 s31, s6  }
.Ltmp2:
0x2b: {  	_ = 	snop;
	(pc) =	sbr.rel @p1 .LBB1_7-.Ltmp2, $1  }
0x2c: {  	_ =	sdelay $0x3  }
0x2d: {  	s18 =	simm.s32 $0x1;
	s20 =	sand.u32 $0x1, s15  }
0x2e: {  	_ =	swait.ge [sflag:s5], $0x4000;
	s18 =	simm.s32 @!p0 $0x0;
	s20 =	smul.u32 $0x10200, s20  }
0x2f: {  	p2 =	por $0x1, $0x1;
	[sflag:s5] =	ssyncset.done $0x0;
	s19 =	smul.u32 $0x10200, s18  }
0x30: {  	s21 =	sshll.u32 s18, $0x10;
	[sflag:s5] =	ssyncadd.s32 $0xFFFFC000;
	s30 =	sshrl.u32 s20, $0x2  }
0x31: {  	s31 =	sshrl.u32 s21, $0x2;
	s21 =	simm.s32 $0x0;
	s19 =	sshrl.u32 s19, $0x2  }
0x32: {  	s18 =	sor.u32 $0x8000, s30;
	s20 =	sadd.s32 $0x20, s31;
	s19 =	sor.u32 $0x8000, s19  }
.LBB1_3:
0x33: {  	s22 =	sshll.u32 s21, $0xD  }
0x34: {  	s22 =	sand.u32 $0x3FFFE000, s22  }
0x35: {  	s24 =	sadd.s32 s22, s20  }
0x36: {  	s31 =	smul.u32 $0x204, s21;
	v3 =	vld [tilespmem:s24+$0x10]  }
0x37: {  	v1 =	vld [tilespmem:s24+$0xFFFFFFF0]  }
0x38: {  	s21 =	sshra.s32 s31, $0x2;
	v0 =	vld [tilespmem:s24+$0x0]  }
0x39: {  	s21 =	sadd.s32 s21, s19;
	v2 =	vld [tilespmem:s24+$0xFFFFFFE0]  }
0x3a: {  	s22 =	sadd.s32 $0x0, s21  }
0x3b: {  	p1 =	por p2, p2;
	s23 =	simm.s32 $0x4;
	s24 =	sadd.s32 $0x40, s24;
	[tilespmem:s22+$0x3060 ss:$0x102] =	vst.msk $0xffff, v3  }
.LBB1_4:
0x3c: {  	v3 =	vld [tilespmem:s24+$0x10];
	p2 =	sne.s32 s23, $0x1FC;
	[tilespmem:s22+$0x1020 ss:$0x102] =	vst.msk $0xffff, v1;
	s25 =	smov.u32 s23;
	s23 =	sadd.s32 $0x4, s23  }
.Ltmp3:
0x3d: {  	v1 =	vld [tilespmem:s24+$0xFFFFFFF0];
	[tilespmem:s22+$0x2040 ss:$0x102] =	vst.msk $0xffff, v0;
	(pc) =	sbr.rel @p2 .LBB1_4-.Ltmp3, $4  }
0x3e: {  	v0 =	vld [tilespmem:s24+$0x0];
	[tilespmem:s22+$0x0 ss:$0x102] =	vst.msk $0xffff, v2  }
0x3f: {  	s22 =	sshra.s32 s25, $0x2;
	v2 =	vld [tilespmem:s24+$0xFFFFFFE0]  }
0x40: {  	s22 =	sadd.s32 s22, s21  }
0x41: {  	s24 =	sadd.s32 $0x40, s24;
	[tilespmem:s22+$0x3060 ss:$0x102] =	vst.msk $0xffff, v3  }
.Ltmp4:
0x42: {  	(pc) =	sbr.rel @p1 .LBB1_3-.Ltmp4, $4  }
0x43: {  	_ = 	snop  }
0x44: {  	[tilespmem:s22+$0x1020 ss:$0x102] =	vst.msk $0xffff, v1  }
0x45: {  	[tilespmem:s22+$0x2040 ss:$0x102] =	vst.msk $0xffff, v0  }
0x46: {  	s21 =	simm.s32 $0x1;
	p2 =	por $0x0, $0x0;
	[tilespmem:s22+$0x0 ss:$0x102] =	vst.msk $0xffff, v2  }
0x47: {  	s19 =	sand.u32 $0x78, s11;
	p1 =	sgt.s32 s12, $0x1E;
	s20 =	smov.u32 s12  }
0x48: {  	s21 =	sshra.s32 s12, $0x1F;
	s22 =	sshll.u32 s12, $0xE;
	s23 =	sshll.u32 s11, $0x3  }
0x49: {  	s30 =	sshra.s32 s11, $0x1F;
	s25 =	sshll.u32 s12, $0x7;
	s20 =	simm.s32 @!p1 $0x1E  }
0x4a: {  	s21 =	sand.u32 s21, s12;
	s22 =	sand.u32 $0x60000, s22;
	p1 =	sgt.s32 s11, $0x3F80  }
0x4b: {  	s25 =	sand.u32 $0x380, s25;
	s20 =	ssub.s32 s20, s21;
	s21 =	smov.u32 s11  }
0x4c: {  	s22 =	sadd.s32 s22, s23;
	s24 =	sadd.s32 $0xFFFFFFE2, s20;
	s21 =	simm.s32 @!p1 $0x3F80  }
0x4d: {  	s20 =	ssub.s32 $0x20, s20;
	p1 =	sgt.s32 s24, $0x1;
	s24 =	sand.u32 s30, s11  }
0x4e: {  	s23 =	sand.u32 $0x3C00, s23;
	s20 =	smul.u32 $0x32, s20;
	s21 =	ssub.s32 s21, s24  }
0x4f: {  	s19 =	sor.u32 s25, s19;
	s22 =	sand.u32 $0x7C000, s22;
	s24 =	sadd.s32 $0xFFFFC080, s21  }
0x50: {  	s20 =	simm.s32 @p1 $0x0;
	s21 =	ssub.s32 $0x4000, s21;
	p1 =	sgt.s32 s24, $0x7F  }
.Ltmp5:
0x51: {  	s19 =	sor.u32 s23, s19;
	s21 =	simm.s32 @p1 $0x0;
	(pc) =	sbr.rel .LBB1_7-.Ltmp5, $4  }
0x52: {  	s31 =	sand.u32 $0x7, s11;
	s19 =	sor.u32 s22, s19;
	s20 =	smul.u32 s21, s20  }
0x53: {  	s19 =	sshrl.u32 s19, $0x3;
	s21 =	sshll.u32 s31, $0x12  }
0x54: {  	s19 =	sadd.s32 s2, s19;
	s21 =	sor.u32 $0x100, s21;
	s20 =	sand.u32 $0x3FFFFFFE, s20  }
0x55: {  	[hbm4b:s19+s21] =	stream.strided.scatter [tilespmem:s18], [sflag:$0x2], s20, s10, s21, $0x20;
	[tilespmem:$0x10100] =	vst v63  }
.LBB1_8:
0x56: {  	_ =	sfence.sel $0x180000  }
0x57: {  	s2 =	simm.s32 $0x1;
	[bflag:$0x0] =	sbarrier.arrive $0xFFFF  }
0x58: {  	s31 =	simm.s32 $0x2;
	[sflag:s2] =	ssyncpa.u1 $0x1  }
0x59: {  	[sflag:s31] =	ssyncpa.u1 $0x1  }
0x5a: {  	p0 =	sne.s32 s1, $0x0;
	_ =	strace $0x9000004D  }
0x5b: {  	s0 =	sadd.s32 @!p0 $0x100000, s0;
	[bflag:$0x2] =	sbarrier.arrive $0xFFFF  }
0x5c: {  	[sflag:s0] =	ssyncadd.tile.s32 @!p0 $0x1;
	_ =	shalt  }
.Lfunc_end1:
_tile_overlayer_lowered:
.L_overlay_start_2:
0x5d: {  	(tag) =	ssettag $0x2  }
0x5e: {  	s0 =	rddreg [dreg:$0x0];
	s2 =	stileid.u32  }
0x5f: {  	s1 =	rddreg [dreg:$0x1];
	p0 =	sne.s32 s2, $0x0  }
0x60: {  	s3 =	rddreg [dreg:$0x2];
	[bflag:$0x3] =	sbarrier.arrive $0xFFFF;
	s2 =	simm.s32 @!p0 $0x1C01  }
0x61: {  	[timem:s3], [sflag:s2] =	dma.local @!p0 [hbm:s0], s1  }
0x62: {  	s0 =	simm.s32 @!p0 $0x1  }
0x63: {  	_ =	swait.ge @!p0 [sflag:s0], s1  }
0x64: {  	s1 =	ssub.s32 @!p0 $0x0, s1;
	[sflag:s0] =	ssyncset.done @!p0 $0x0  }
0x65: {  	[sflag:s0] =	ssyncadd.s32 @!p0 s1  }
0x66: {  	[bflag:$0x3] =	sbarrier.arrive $0xFFFF  }
0x67: {  	_ =	shalt  }

</sc_bundles>
